<compile_context>
chip_gen: v7x
topology: tpu7x:2x2x1
jax: 0.10.2.dev20260603
libtpu: 0.0.44.dev20260713+nightly
codegen_flags: <defaults>
</compile_context>

<pallas_src>
import functools

import jax
import jax.numpy as jnp
from jax import lax
from jax.experimental import pallas as pl
from jax.experimental.pallas import tpu as pltpu
from jax.experimental.pallas import tpu_sc as plsc

N = 10000
NP = 10240
D = 128
E = 320000
CH = 128
NC = 2
NS = 16
TILES = NC * NS
EP = ((E + TILES * CH - 1) // (TILES * CH)) * (TILES * CH)
CPT = EP // (TILES * CH)
RPS = NP // NS
RB = 1024
GRID = NP // RB

_f32 = jnp.float32
_mesh = plsc.VectorSubcoreMesh(
    core_axis_name="c", subcore_axis_name="s", num_cores=NC, num_subcores=NS)



@functools.partial(
    pl.kernel,
    out_type=jax.ShapeDtypeStruct((NC * NP,), _f32),
    mesh=_mesh,
    scratch_types=[
        pltpu.VMEM((CPT, CH), jnp.int32),
        pltpu.VMEM((CH,), _f32),
        pltpu.VMEM((RPS,), _f32),
        pltpu.VMEM_SHARED((NP,), _f32),
    ],
)
def _sc_deg(dst_hbm, degp_hbm, idx_v, ones_v, zeros_v, deg_sh):
    cid = lax.axis_index("c")
    sid = lax.axis_index("s")
    wid = cid * NS + sid
    for i in range(RPS // 16):
        zeros_v[pl.ds(i * 16, 16)] = jnp.zeros((16,), _f32)
    for i in range(CH // 16):
        ones_v[pl.ds(i * 16, 16)] = jnp.full((16,), 1.0, _f32)
    pltpu.sync_copy(zeros_v, deg_sh.at[pl.ds(sid * RPS, RPS)])
    plsc.subcore_barrier()
    pltpu.sync_copy(dst_hbm.at[wid], idx_v)

    def body(j, carry):
        pltpu.sync_copy(ones_v, deg_sh.at[idx_v.at[j]], add=True)
        return carry

    lax.fori_loop(0, CPT, body, 0)
    plsc.subcore_barrier()
    pltpu.sync_copy(deg_sh.at[pl.ds(sid * RPS, RPS)],
                    degp_hbm.at[pl.ds(cid * NP + sid * RPS, RPS)])


@functools.partial(
    pl.kernel,
    out_type=jax.ShapeDtypeStruct((NC, NP, D), _f32),
    mesh=_mesh,
    scratch_types=[
        pltpu.VMEM((CPT, CH), jnp.int32),
        pltpu.VMEM((CPT, CH), jnp.int32),
        pltpu.VMEM((CH, D), _f32),
        pltpu.VMEM_SHARED((NP, D), _f32),
        pltpu.SemaphoreType.DMA,
    ],
)
def _sc_edge(xs_hbm, src_hbm, dstr_hbm, accp_hbm, idx_s, idx_d, rows_v,
             acc_sh, sem):
    cid = lax.axis_index("c")
    sid = lax.axis_index("s")
    wid = cid * NS + sid

    def zrow(i, carry):
        for k in range(D // 16):
            rows_v[i, pl.ds(k * 16, 16)] = jnp.zeros((16,), _f32)
        return carry

    lax.fori_loop(0, CH, zrow, 0)
    for t in range(RPS // CH):
        pltpu.sync_copy(rows_v, acc_sh.at[pl.ds(sid * RPS + t * CH, CH)])
    plsc.subcore_barrier()

    pltpu.sync_copy(src_hbm.at[wid], idx_s)
    pltpu.sync_copy(dstr_hbm.at[wid], idx_d)

    def body(j, carry):
        pltpu.async_copy(xs_hbm.at[idx_s.at[j]], rows_v, sem).wait()
        pltpu.sync_copy(rows_v, acc_sh.at[idx_d.at[j]], add=True)
        return carry

    lax.fori_loop(0, CPT, body, 0)
    plsc.subcore_barrier()
    pltpu.sync_copy(acc_sh.at[pl.ds(sid * RPS, RPS)],
                    accp_hbm.at[cid, pl.ds(sid * RPS, RPS)])



def _tc_first_body(x_ref, w_ref, degp_ref, xs_ref, dinv_ref):
    deg = degp_ref[0] + degp_ref[1] + 1.0
    dinv = lax.rsqrt(deg)
    dinv_ref[...] = dinv
    xs_ref[...] = dinv * jnp.dot(x_ref[...], w_ref[...],
                                 preferred_element_type=_f32)


_tc_first = pl.pallas_call(
    _tc_first_body,
    grid=(GRID,),
    in_specs=[
        pl.BlockSpec((RB, D), lambda i: (i, 0)),
        pl.BlockSpec((D, D), lambda i: (0, 0)),
        pl.BlockSpec((NC, RB, 1), lambda i: (0, i, 0)),
    ],
    out_specs=[
        pl.BlockSpec((RB, D), lambda i: (i, 0)),
        pl.BlockSpec((RB, 1), lambda i: (i, 0)),
    ],
    out_shape=[
        jax.ShapeDtypeStruct((NP, D), _f32),
        jax.ShapeDtypeStruct((NP, 1), _f32),
    ],
)


def _tc_mid_body(acc_ref, xs_ref, dinv_ref, w_ref, b_ref, xs2_ref):
    a = acc_ref[0] + acc_ref[1] + xs_ref[...]
    h = jnp.maximum(dinv_ref[...] * a + b_ref[...], 0.0)
    xs2_ref[...] = dinv_ref[...] * jnp.dot(h, w_ref[...],
                                           preferred_element_type=_f32)


_tc_mid = pl.pallas_call(
    _tc_mid_body,
    grid=(GRID,),
    in_specs=[
        pl.BlockSpec((NC, RB, D), lambda i: (0, i, 0)),
        pl.BlockSpec((RB, D), lambda i: (i, 0)),
        pl.BlockSpec((RB, 1), lambda i: (i, 0)),
        pl.BlockSpec((D, D), lambda i: (0, 0)),
        pl.BlockSpec((1, D), lambda i: (0, 0)),
    ],
    out_specs=pl.BlockSpec((RB, D), lambda i: (i, 0)),
    out_shape=jax.ShapeDtypeStruct((NP, D), _f32),
)


def _tc_final_body(acc_ref, xs_ref, dinv_ref, b_ref, out_ref):
    a = acc_ref[0] + acc_ref[1] + xs_ref[...]
    out_ref[...] = dinv_ref[...] * a + b_ref[...]


_tc_final = pl.pallas_call(
    _tc_final_body,
    grid=(GRID,),
    in_specs=[
        pl.BlockSpec((NC, RB, D), lambda i: (0, i, 0)),
        pl.BlockSpec((RB, D), lambda i: (i, 0)),
        pl.BlockSpec((RB, 1), lambda i: (i, 0)),
        pl.BlockSpec((1, D), lambda i: (0, 0)),
    ],
    out_specs=pl.BlockSpec((RB, D), lambda i: (i, 0)),
    out_shape=jax.ShapeDtypeStruct((NP, D), _f32),
)



def kernel(x, edge_index, W1, b1, W2, b2):
    src = edge_index[0]
    dst = edge_index[1]
    pad = jnp.full((EP - E,), N, jnp.int32)
    src_r = jnp.concatenate([src, pad]).reshape(TILES, CPT, CH)
    dst_r = jnp.concatenate([dst, pad]).reshape(TILES, CPT, CH)
    x_pad = jnp.pad(x, ((0, NP - N), (0, 0)))

    deg_p = _sc_deg(dst_r).reshape(NC, NP, 1)
    xs1, dinv = _tc_first(x_pad, W1, deg_p)
    acc1 = _sc_edge(xs1, src_r, dst_r)
    xs2 = _tc_mid(acc1, xs1, dinv, W2, b1.reshape(1, D))
    acc2 = _sc_edge(xs2, src_r, dst_r)
    out = _tc_final(acc2, xs2, dinv, b2.reshape(1, D))
    return out[:N]

# --- scband reference (transcript-rebuilt; emitter-appended) ---
"""Pipeline reference for scband-gcn-29429115912800 (READ-ONLY COPY).

The authoritative reference and input builder live on the scoring server;
editing this copy changes nothing except your own understanding.
"""

import jax, jax.numpy as jnp
import numpy as np

N = 10000
E = 320000
D_IN = 128
D_HID = 128
D_OUT = 128


def setup_inputs(seed: int = 0) -> dict:
    key = jax.random.key(seed)
    k1, k2, k3, k4 = jax.random.split(key, 4)
    x = jax.random.normal(k1, (N, D_IN), dtype=jnp.float32)
    edge_index = jax.random.randint(k2, (2, E), 0, N, dtype=jnp.int32)
    W1 = jax.random.normal(k3, (D_IN, D_HID), dtype=jnp.float32) * (1.0 / np.sqrt(D_IN))
    b1 = jnp.zeros((D_HID,), dtype=jnp.float32)
    W2 = jax.random.normal(k4, (D_HID, D_OUT), dtype=jnp.float32) * (1.0 / np.sqrt(D_HID))
    b2 = jnp.zeros((D_OUT,), dtype=jnp.float32)
    return {"x": x, "edge_index": edge_index, "W1": W1, "b1": b1, "W2": W2, "b2": b2}


def _gcn_conv(x, edge_index, W, b):
    # Faithful PyG GCNConv: add self-loops, symmetric deg^{-1/2} normalization,
    # message = norm * (x W)[src], scatter-add into dst, then bias.
    n = x.shape[0]
    loop = jnp.arange(n, dtype=edge_index.dtype)
    src = jnp.concatenate([edge_index[0], loop])
    dst = jnp.concatenate([edge_index[1], loop])
    ew = jnp.ones(src.shape[0], dtype=x.dtype)
    deg = jnp.zeros((n,), dtype=x.dtype).at[dst].add(ew)
    deg_inv_sqrt = jnp.where(deg > 0, jax.lax.rsqrt(jnp.maximum(deg, 1e-12)), 0.0)
    norm = deg_inv_sqrt[src] * ew * deg_inv_sqrt[dst]
    xw = x @ W
    msgs = jnp.take(xw, src, axis=0) * norm[:, None]
    out = jnp.zeros((n, W.shape[1]), dtype=x.dtype).at[dst].add(msgs)
    return out + b


def reference(x, edge_index, W1, b1, W2, b2):
    h = _gcn_conv(x, edge_index, W1, b1)
    h = jax.nn.relu(h)
    # dropout is identity at inference
    out = _gcn_conv(h, edge_index, W2, b2)
    return out

if __name__ == "__main__":
    import jax
    _d = setup_inputs()
    print(jax.jit(kernel)(*tuple(_d.values())))

</pallas_src>

<mosaic_0001>
#map = affine_map<(d0, d1) -> (0, 0)>
#map1 = affine_map<(d0, d1) -> (0, 0, 0)>
module attributes {stable_mosaic.version = 14 : i64} {
  func.func @_sc_edge(%arg0: i32, %arg1: i32, %arg2: memref<10240x128xf32, #tpu.memory_space<hbm>>, %arg3: memref<32x79x128xi32, #tpu.memory_space<hbm>>, %arg4: memref<32x79x128xi32, #tpu.memory_space<hbm>>, %arg5: memref<2x10240x128xf32, #tpu.memory_space<hbm>>, %arg6: memref<79x128xi32, #tpu.memory_space<vmem>>, %arg7: memref<79x128xi32, #tpu.memory_space<vmem>>, %arg8: memref<128x128xf32, #tpu.memory_space<vmem>>, %arg9: memref<10240x128xf32, #tpu.memory_space<vmem_shared>>, %arg10: memref<!tpu.dma_semaphore, #tpu.memory_space<semaphore_mem>>) attributes {dimension_semantics = [#tpu.dimension_semantics<core_parallel>, #tpu.dimension_semantics<subcore_parallel>], iteration_bounds = array<i64: 2, 16>, scalar_prefetch = 0 : i64, scratch_operands = 5 : i64, tpu.core_type = #tpu.core_type<sc_vector_subcore>, window_params = [{transform_indices = #map}, {transform_indices = #map1}, {transform_indices = #map1}, {transform_indices = #map1}]} {
    %mul3A = arith.constant 16 : i32
    %mul3A_0 = arith.muli %arg0, %mul3A : i32
    %add3A = arith.addi %mul3A_0, %arg1 : i32
    %scan3A = arith.constant 0 : i32
    %scan3A_1 = arith.constant 0 : i32
    %scan3A_2 = arith.constant 128 : i32
    %scan3A_3 = arith.addi %scan3A_1, %scan3A_2 : i32
    %scan3A_4 = arith.constant 1 : i32
    scf.for %scan3A_37 = %scan3A_1 to %scan3A_3 step %scan3A_4  : i32 {
      %broadcast_in_dim3A = arith.constant 0.000000e+00 : f32
      %broadcast_in_dim3A_38 = vector.broadcast %broadcast_in_dim3A : f32 to vector<16xf32>
      %swap3A = arith.index_cast %scan3A_37 : i32 to index
      %swap3A_39 = arith.constant 0 : index
      %swap3A_40 = tpu.vector_load %arg8[%swap3A, %swap3A_39] {strides = array<i32>} : memref<128x128xf32, #tpu.memory_space<vmem>>, vector<1x16xf32>,
      %swap3A_41 = vector.shape_cast %swap3A_40 : vector<1x16xf32> to vector<16xf32>
      %swap3A_42 = vector.shape_cast %broadcast_in_dim3A_38 : vector<16xf32> to vector<1x16xf32>
      tpu.vector_store %arg8[%swap3A, %swap3A_39], %swap3A_42 {strides = array<i32>} : memref<128x128xf32, #tpu.memory_space<vmem>>, vector<1x16xf32>,
      %broadcast_in_dim3A_43 = arith.constant 0.000000e+00 : f32
      %broadcast_in_dim3A_44 = vector.broadcast %broadcast_in_dim3A_43 : f32 to vector<16xf32>
      %swap3A_45 = arith.index_cast %scan3A_37 : i32 to index
      %swap3A_46 = arith.constant 16 : index
      %swap3A_47 = tpu.vector_load %arg8[%swap3A_45, %swap3A_46] {strides = array<i32>} : memref<128x128xf32, #tpu.memory_space<vmem>>, vector<1x16xf32>,
      %swap3A_48 = vector.shape_cast %swap3A_47 : vector<1x16xf32> to vector<16xf32>
      %swap3A_49 = vector.shape_cast %broadcast_in_dim3A_44 : vector<16xf32> to vector<1x16xf32>
      tpu.vector_store %arg8[%swap3A_45, %swap3A_46], %swap3A_49 {strides = array<i32>} : memref<128x128xf32, #tpu.memory_space<vmem>>, vector<1x16xf32>,
      %broadcast_in_dim3A_50 = arith.constant 0.000000e+00 : f32
      %broadcast_in_dim3A_51 = vector.broadcast %broadcast_in_dim3A_50 : f32 to vector<16xf32>
      %swap3A_52 = arith.index_cast %scan3A_37 : i32 to index
      %swap3A_53 = arith.constant 32 : index
      %swap3A_54 = tpu.vector_load %arg8[%swap3A_52, %swap3A_53] {strides = array<i32>} : memref<128x128xf32, #tpu.memory_space<vmem>>, vector<1x16xf32>,
      %swap3A_55 = vector.shape_cast %swap3A_54 : vector<1x16xf32> to vector<16xf32>
      %swap3A_56 = vector.shape_cast %broadcast_in_dim3A_51 : vector<16xf32> to vector<1x16xf32>
      tpu.vector_store %arg8[%swap3A_52, %swap3A_53], %swap3A_56 {strides = array<i32>} : memref<128x128xf32, #tpu.memory_space<vmem>>, vector<1x16xf32>,
      %broadcast_in_dim3A_57 = arith.constant 0.000000e+00 : f32
      %broadcast_in_dim3A_58 = vector.broadcast %broadcast_in_dim3A_57 : f32 to vector<16xf32>
      %swap3A_59 = arith.index_cast %scan3A_37 : i32 to index
      %swap3A_60 = arith.constant 48 : index
      %swap3A_61 = tpu.vector_load %arg8[%swap3A_59, %swap3A_60] {strides = array<i32>} : memref<128x128xf32, #tpu.memory_space<vmem>>, vector<1x16xf32>,
      %swap3A_62 = vector.shape_cast %swap3A_61 : vector<1x16xf32> to vector<16xf32>
      %swap3A_63 = vector.shape_cast %broadcast_in_dim3A_58 : vector<16xf32> to vector<1x16xf32>
      tpu.vector_store %arg8[%swap3A_59, %swap3A_60], %swap3A_63 {strides = array<i32>} : memref<128x128xf32, #tpu.memory_space<vmem>>, vector<1x16xf32>,
      %broadcast_in_dim3A_64 = arith.constant 0.000000e+00 : f32
      %broadcast_in_dim3A_65 = vector.broadcast %broadcast_in_dim3A_64 : f32 to vector<16xf32>
      %swap3A_66 = arith.index_cast %scan3A_37 : i32 to index
      %swap3A_67 = arith.constant 64 : index
      %swap3A_68 = tpu.vector_load %arg8[%swap3A_66, %swap3A_67] {strides = array<i32>} : memref<128x128xf32, #tpu.memory_space<vmem>>, vector<1x16xf32>,
      %swap3A_69 = vector.shape_cast %swap3A_68 : vector<1x16xf32> to vector<16xf32>
      %swap3A_70 = vector.shape_cast %broadcast_in_dim3A_65 : vector<16xf32> to vector<1x16xf32>
      tpu.vector_store %arg8[%swap3A_66, %swap3A_67], %swap3A_70 {strides = array<i32>} : memref<128x128xf32, #tpu.memory_space<vmem>>, vector<1x16xf32>,
      %broadcast_in_dim3A_71 = arith.constant 0.000000e+00 : f32
      %broadcast_in_dim3A_72 = vector.broadcast %broadcast_in_dim3A_71 : f32 to vector<16xf32>
      %swap3A_73 = arith.index_cast %scan3A_37 : i32 to index
      %swap3A_74 = arith.constant 80 : index
      %swap3A_75 = tpu.vector_load %arg8[%swap3A_73, %swap3A_74] {strides = array<i32>} : memref<128x128xf32, #tpu.memory_space<vmem>>, vector<1x16xf32>,
      %swap3A_76 = vector.shape_cast %swap3A_75 : vector<1x16xf32> to vector<16xf32>
      %swap3A_77 = vector.shape_cast %broadcast_in_dim3A_72 : vector<16xf32> to vector<1x16xf32>
      tpu.vector_store %arg8[%swap3A_73, %swap3A_74], %swap3A_77 {strides = array<i32>} : memref<128x128xf32, #tpu.memory_space<vmem>>, vector<1x16xf32>,
      %broadcast_in_dim3A_78 = arith.constant 0.000000e+00 : f32
      %broadcast_in_dim3A_79 = vector.broadcast %broadcast_in_dim3A_78 : f32 to vector<16xf32>
      %swap3A_80 = arith.index_cast %scan3A_37 : i32 to index
      %swap3A_81 = arith.constant 96 : index
      %swap3A_82 = tpu.vector_load %arg8[%swap3A_80, %swap3A_81] {strides = array<i32>} : memref<128x128xf32, #tpu.memory_space<vmem>>, vector<1x16xf32>,
      %swap3A_83 = vector.shape_cast %swap3A_82 : vector<1x16xf32> to vector<16xf32>
      %swap3A_84 = vector.shape_cast %broadcast_in_dim3A_79 : vector<16xf32> to vector<1x16xf32>
      tpu.vector_store %arg8[%swap3A_80, %swap3A_81], %swap3A_84 {strides = array<i32>} : memref<128x128xf32, #tpu.memory_space<vmem>>, vector<1x16xf32>,
      %broadcast_in_dim3A_85 = arith.constant 0.000000e+00 : f32
      %broadcast_in_dim3A_86 = vector.broadcast %broadcast_in_dim3A_85 : f32 to vector<16xf32>
      %swap3A_87 = arith.index_cast %scan3A_37 : i32 to index
      %swap3A_88 = arith.constant 112 : index
      %swap3A_89 = tpu.vector_load %arg8[%swap3A_87, %swap3A_88] {strides = array<i32>} : memref<128x128xf32, #tpu.memory_space<vmem>>, vector<1x16xf32>,
      %swap3A_90 = vector.shape_cast %swap3A_89 : vector<1x16xf32> to vector<16xf32>
      %swap3A_91 = vector.shape_cast %broadcast_in_dim3A_86 : vector<16xf32> to vector<1x16xf32>
      tpu.vector_store %arg8[%swap3A_87, %swap3A_88], %swap3A_91 {strides = array<i32>} : memref<128x128xf32, #tpu.memory_space<vmem>>, vector<1x16xf32>,
    }
    %scan3A_5 = arith.constant 128 : i32
    %mul3A_6 = arith.constant 640 : i32
    %mul3A_7 = arith.muli %arg1, %mul3A_6 : i32
    %add3A_8 = arith.constant 0 : i32
    %add3A_9 = arith.addi %mul3A_7, %add3A_8 : i32
    "tpu.region"() ({
      %run_scoped3A = tpu.sem_alloc : memref<!tpu.dma_semaphore, #tpu.memory_space<semaphore_mem>>
      %dma_start3A = arith.constant 0 : i32
      %dma_start3A_37 = tpu.memref_slice %arg9[%add3A_9, %dma_start3A] : memref<10240x128xf32, #tpu.memory_space<vmem_shared>> -> memref<128x128xf32, #tpu.memory_space<vmem_shared>>
      %dma_start3A_38 = arith.constant 0 : i32
      %dma_start3A_39 = tpu.memref_slice %arg9[%add3A_9, %dma_start3A_38] : memref<10240x128xf32, #tpu.memory_space<vmem_shared>> -> memref<128x128xf32, #tpu.memory_space<vmem_shared>>
      tpu.enqueue_dma source(%arg8 : memref<128x128xf32, #tpu.memory_space<vmem>>) target(%dma_start3A_39 : memref<128x128xf32, #tpu.memory_space<vmem_shared>>) target_semaphore(%run_scoped3A : memref<!tpu.dma_semaphore, #tpu.memory_space<semaphore_mem>>)
      %dma_wait3A = arith.constant 0 : i32
      %dma_wait3A_40 = tpu.memref_slice %arg9[%add3A_9, %dma_wait3A] : memref<10240x128xf32, #tpu.memory_space<vmem_shared>> -> memref<128x128xf32, #tpu.memory_space<vmem_shared>>
      %dma_wait3A_41 = arith.constant 0 : i32
      %dma_wait3A_42 = tpu.memref_slice %arg9[%add3A_9, %dma_wait3A_41] : memref<10240x128xf32, #tpu.memory_space<vmem_shared>> -> memref<128x128xf32, #tpu.memory_space<vmem_shared>>
      tpu.wait_dma2 semaphore(%run_scoped3A : memref<!tpu.dma_semaphore, #tpu.memory_space<semaphore_mem>>) src(%arg8 : memref<128x128xf32, #tpu.memory_space<vmem>>) dst(%dma_wait3A_42 : memref<128x128xf32, #tpu.memory_space<vmem_shared>>)
      tpu.yield
    }) : () -> ()
    %mul3A_10 = arith.constant 640 : i32
    %mul3A_11 = arith.muli %arg1, %mul3A_10 : i32
    %add3A_12 = arith.constant 128 : i32
    %add3A_13 = arith.addi %mul3A_11, %add3A_12 : i32
    "tpu.region"() ({
      %run_scoped3A = tpu.sem_alloc : memref<!tpu.dma_semaphore, #tpu.memory_space<semaphore_mem>>
      %dma_start3A = arith.constant 0 : i32
      %dma_start3A_37 = tpu.memref_slice %arg9[%add3A_13, %dma_start3A] : memref<10240x128xf32, #tpu.memory_space<vmem_shared>> -> memref<128x128xf32, #tpu.memory_space<vmem_shared>>
      %dma_start3A_38 = arith.constant 0 : i32
      %dma_start3A_39 = tpu.memref_slice %arg9[%add3A_13, %dma_start3A_38] : memref<10240x128xf32, #tpu.memory_space<vmem_shared>> -> memref<128x128xf32, #tpu.memory_space<vmem_shared>>
      tpu.enqueue_dma source(%arg8 : memref<128x128xf32, #tpu.memory_space<vmem>>) target(%dma_start3A_39 : memref<128x128xf32, #tpu.memory_space<vmem_shared>>) target_semaphore(%run_scoped3A : memref<!tpu.dma_semaphore, #tpu.memory_space<semaphore_mem>>)
      %dma_wait3A = arith.constant 0 : i32
      %dma_wait3A_40 = tpu.memref_slice %arg9[%add3A_13, %dma_wait3A] : memref<10240x128xf32, #tpu.memory_space<vmem_shared>> -> memref<128x128xf32, #tpu.memory_space<vmem_shared>>
      %dma_wait3A_41 = arith.constant 0 : i32
      %dma_wait3A_42 = tpu.memref_slice %arg9[%add3A_13, %dma_wait3A_41] : memref<10240x128xf32, #tpu.memory_space<vmem_shared>> -> memref<128x128xf32, #tpu.memory_space<vmem_shared>>
      tpu.wait_dma2 semaphore(%run_scoped3A : memref<!tpu.dma_semaphore, #tpu.memory_space<semaphore_mem>>) src(%arg8 : memref<128x128xf32, #tpu.memory_space<vmem>>) dst(%dma_wait3A_42 : memref<128x128xf32, #tpu.memory_space<vmem_shared>>)
      tpu.yield
    }) : () -> ()
    %mul3A_14 = arith.constant 640 : i32
    %mul3A_15 = arith.muli %arg1, %mul3A_14 : i32
    %add3A_16 = arith.constant 256 : i32
    %add3A_17 = arith.addi %mul3A_15, %add3A_16 : i32
    "tpu.region"() ({
      %run_scoped3A = tpu.sem_alloc : memref<!tpu.dma_semaphore, #tpu.memory_space<semaphore_mem>>
      %dma_start3A = arith.constant 0 : i32
      %dma_start3A_37 = tpu.memref_slice %arg9[%add3A_17, %dma_start3A] : memref<10240x128xf32, #tpu.memory_space<vmem_shared>> -> memref<128x128xf32, #tpu.memory_space<vmem_shared>>
      %dma_start3A_38 = arith.constant 0 : i32
      %dma_start3A_39 = tpu.memref_slice %arg9[%add3A_17, %dma_start3A_38] : memref<10240x128xf32, #tpu.memory_space<vmem_shared>> -> memref<128x128xf32, #tpu.memory_space<vmem_shared>>
      tpu.enqueue_dma source(%arg8 : memref<128x128xf32, #tpu.memory_space<vmem>>) target(%dma_start3A_39 : memref<128x128xf32, #tpu.memory_space<vmem_shared>>) target_semaphore(%run_scoped3A : memref<!tpu.dma_semaphore, #tpu.memory_space<semaphore_mem>>)
      %dma_wait3A = arith.constant 0 : i32
      %dma_wait3A_40 = tpu.memref_slice %arg9[%add3A_17, %dma_wait3A] : memref<10240x128xf32, #tpu.memory_space<vmem_shared>> -> memref<128x128xf32, #tpu.memory_space<vmem_shared>>
      %dma_wait3A_41 = arith.constant 0 : i32
      %dma_wait3A_42 = tpu.memref_slice %arg9[%add3A_17, %dma_wait3A_41] : memref<10240x128xf32, #tpu.memory_space<vmem_shared>> -> memref<128x128xf32, #tpu.memory_space<vmem_shared>>
      tpu.wait_dma2 semaphore(%run_scoped3A : memref<!tpu.dma_semaphore, #tpu.memory_space<semaphore_mem>>) src(%arg8 : memref<128x128xf32, #tpu.memory_space<vmem>>) dst(%dma_wait3A_42 : memref<128x128xf32, #tpu.memory_space<vmem_shared>>)
      tpu.yield
    }) : () -> ()
    %mul3A_18 = arith.constant 640 : i32
    %mul3A_19 = arith.muli %arg1, %mul3A_18 : i32
    %add3A_20 = arith.constant 384 : i32
    %add3A_21 = arith.addi %mul3A_19, %add3A_20 : i32
    "tpu.region"() ({
      %run_scoped3A = tpu.sem_alloc : memref<!tpu.dma_semaphore, #tpu.memory_space<semaphore_mem>>
      %dma_start3A = arith.constant 0 : i32
      %dma_start3A_37 = tpu.memref_slice %arg9[%add3A_21, %dma_start3A] : memref<10240x128xf32, #tpu.memory_space<vmem_shared>> -> memref<128x128xf32, #tpu.memory_space<vmem_shared>>
      %dma_start3A_38 = arith.constant 0 : i32
      %dma_start3A_39 = tpu.memref_slice %arg9[%add3A_21, %dma_start3A_38] : memref<10240x128xf32, #tpu.memory_space<vmem_shared>> -> memref<128x128xf32, #tpu.memory_space<vmem_shared>>
      tpu.enqueue_dma source(%arg8 : memref<128x128xf32, #tpu.memory_space<vmem>>) target(%dma_start3A_39 : memref<128x128xf32, #tpu.memory_space<vmem_shared>>) target_semaphore(%run_scoped3A : memref<!tpu.dma_semaphore, #tpu.memory_space<semaphore_mem>>)
      %dma_wait3A = arith.constant 0 : i32
      %dma_wait3A_40 = tpu.memref_slice %arg9[%add3A_21, %dma_wait3A] : memref<10240x128xf32, #tpu.memory_space<vmem_shared>> -> memref<128x128xf32, #tpu.memory_space<vmem_shared>>
      %dma_wait3A_41 = arith.constant 0 : i32
      %dma_wait3A_42 = tpu.memref_slice %arg9[%add3A_21, %dma_wait3A_41] : memref<10240x128xf32, #tpu.memory_space<vmem_shared>> -> memref<128x128xf32, #tpu.memory_space<vmem_shared>>
      tpu.wait_dma2 semaphore(%run_scoped3A : memref<!tpu.dma_semaphore, #tpu.memory_space<semaphore_mem>>) src(%arg8 : memref<128x128xf32, #tpu.memory_space<vmem>>) dst(%dma_wait3A_42 : memref<128x128xf32, #tpu.memory_space<vmem_shared>>)
      tpu.yield
    }) : () -> ()
    %mul3A_22 = arith.constant 640 : i32
    %mul3A_23 = arith.muli %arg1, %mul3A_22 : i32
    %add3A_24 = arith.constant 512 : i32
    %add3A_25 = arith.addi %mul3A_23, %add3A_24 : i32
    "tpu.region"() ({
      %run_scoped3A = tpu.sem_alloc : memref<!tpu.dma_semaphore, #tpu.memory_space<semaphore_mem>>
      %dma_start3A = arith.constant 0 : i32
      %dma_start3A_37 = tpu.memref_slice %arg9[%add3A_25, %dma_start3A] : memref<10240x128xf32, #tpu.memory_space<vmem_shared>> -> memref<128x128xf32, #tpu.memory_space<vmem_shared>>
      %dma_start3A_38 = arith.constant 0 : i32
      %dma_start3A_39 = tpu.memref_slice %arg9[%add3A_25, %dma_start3A_38] : memref<10240x128xf32, #tpu.memory_space<vmem_shared>> -> memref<128x128xf32, #tpu.memory_space<vmem_shared>>
      tpu.enqueue_dma source(%arg8 : memref<128x128xf32, #tpu.memory_space<vmem>>) target(%dma_start3A_39 : memref<128x128xf32, #tpu.memory_space<vmem_shared>>) target_semaphore(%run_scoped3A : memref<!tpu.dma_semaphore, #tpu.memory_space<semaphore_mem>>)
      %dma_wait3A = arith.constant 0 : i32
      %dma_wait3A_40 = tpu.memref_slice %arg9[%add3A_25, %dma_wait3A] : memref<10240x128xf32, #tpu.memory_space<vmem_shared>> -> memref<128x128xf32, #tpu.memory_space<vmem_shared>>
      %dma_wait3A_41 = arith.constant 0 : i32
      %dma_wait3A_42 = tpu.memref_slice %arg9[%add3A_25, %dma_wait3A_41] : memref<10240x128xf32, #tpu.memory_space<vmem_shared>> -> memref<128x128xf32, #tpu.memory_space<vmem_shared>>
      tpu.wait_dma2 semaphore(%run_scoped3A : memref<!tpu.dma_semaphore, #tpu.memory_space<semaphore_mem>>) src(%arg8 : memref<128x128xf32, #tpu.memory_space<vmem>>) dst(%dma_wait3A_42 : memref<128x128xf32, #tpu.memory_space<vmem_shared>>)
      tpu.yield
    }) : () -> ()
    %barrier3A = arith.constant 0 : index
    tpu.barrier barrier_id(%barrier3A)
    "tpu.region"() ({
      %run_scoped3A = tpu.sem_alloc : memref<!tpu.dma_semaphore, #tpu.memory_space<semaphore_mem>>
      %dma_start3A = arith.constant 0 : i32
      %dma_start3A_37 = arith.constant 0 : i32
      %dma_start3A_38 = tpu.memref_slice %arg3[%add3A, %dma_start3A, %dma_start3A_37] : memref<32x79x128xi32, #tpu.memory_space<hbm>> -> memref<1x79x128xi32, #tpu.memory_space<hbm>>
      %dma_start3A_39 = tpu.memref_squeeze %dma_start3A_38 : memref<1x79x128xi32, #tpu.memory_space<hbm>> -> memref<79x128xi32, #tpu.memory_space<hbm>>
      %dma_start3A_40 = arith.constant 0 : i32
      %dma_start3A_41 = arith.constant 0 : i32
      %dma_start3A_42 = tpu.memref_slice %arg3[%add3A, %dma_start3A_40, %dma_start3A_41] : memref<32x79x128xi32, #tpu.memory_space<hbm>> -> memref<1x79x128xi32, #tpu.memory_space<hbm>>
      %dma_start3A_43 = tpu.memref_squeeze %dma_start3A_42 : memref<1x79x128xi32, #tpu.memory_space<hbm>> -> memref<79x128xi32, #tpu.memory_space<hbm>>
      tpu.enqueue_dma source(%dma_start3A_43 : memref<79x128xi32, #tpu.memory_space<hbm>>) target(%arg6 : memref<79x128xi32, #tpu.memory_space<vmem>>) target_semaphore(%run_scoped3A : memref<!tpu.dma_semaphore, #tpu.memory_space<semaphore_mem>>)
      %dma_wait3A = arith.constant 0 : i32
      %dma_wait3A_44 = arith.constant 0 : i32
      %dma_wait3A_45 = tpu.memref_slice %arg3[%add3A, %dma_wait3A, %dma_wait3A_44] : memref<32x79x128xi32, #tpu.memory_space<hbm>> -> memref<1x79x128xi32, #tpu.memory_space<hbm>>
      %dma_wait3A_46 = tpu.memref_squeeze %dma_wait3A_45 : memref<1x79x128xi32, #tpu.memory_space<hbm>> -> memref<79x128xi32, #tpu.memory_space<hbm>>
      %dma_wait3A_47 = arith.constant 0 : i32
      %dma_wait3A_48 = arith.constant 0 : i32
      %dma_wait3A_49 = tpu.memref_slice %arg3[%add3A, %dma_wait3A_47, %dma_wait3A_48] : memref<32x79x128xi32, #tpu.memory_space<hbm>> -> memref<1x79x128xi32, #tpu.memory_space<hbm>>
      %dma_wait3A_50 = tpu.memref_squeeze %dma_wait3A_49 : memref<1x79x128xi32, #tpu.memory_space<hbm>> -> memref<79x128xi32, #tpu.memory_space<hbm>>
      tpu.wait_dma2 semaphore(%run_scoped3A : memref<!tpu.dma_semaphore, #tpu.memory_space<semaphore_mem>>) src(%dma_wait3A_50 : memref<79x128xi32, #tpu.memory_space<hbm>>) dst(%arg6 : memref<79x128xi32, #tpu.memory_space<vmem>>)
      tpu.yield
    }) : () -> ()
    "tpu.region"() ({
      %run_scoped3A = tpu.sem_alloc : memref<!tpu.dma_semaphore, #tpu.memory_space<semaphore_mem>>
      %dma_start3A = arith.constant 0 : i32
      %dma_start3A_37 = arith.constant 0 : i32
      %dma_start3A_38 = tpu.memref_slice %arg4[%add3A, %dma_start3A, %dma_start3A_37] : memref<32x79x128xi32, #tpu.memory_space<hbm>> -> memref<1x79x128xi32, #tpu.memory_space<hbm>>
      %dma_start3A_39 = tpu.memref_squeeze %dma_start3A_38 : memref<1x79x128xi32, #tpu.memory_space<hbm>> -> memref<79x128xi32, #tpu.memory_space<hbm>>
      %dma_start3A_40 = arith.constant 0 : i32
      %dma_start3A_41 = arith.constant 0 : i32
      %dma_start3A_42 = tpu.memref_slice %arg4[%add3A, %dma_start3A_40, %dma_start3A_41] : memref<32x79x128xi32, #tpu.memory_space<hbm>> -> memref<1x79x128xi32, #tpu.memory_space<hbm>>
      %dma_start3A_43 = tpu.memref_squeeze %dma_start3A_42 : memref<1x79x128xi32, #tpu.memory_space<hbm>> -> memref<79x128xi32, #tpu.memory_space<hbm>>
      tpu.enqueue_dma source(%dma_start3A_43 : memref<79x128xi32, #tpu.memory_space<hbm>>) target(%arg7 : memref<79x128xi32, #tpu.memory_space<vmem>>) target_semaphore(%run_scoped3A : memref<!tpu.dma_semaphore, #tpu.memory_space<semaphore_mem>>)
      %dma_wait3A = arith.constant 0 : i32
      %dma_wait3A_44 = arith.constant 0 : i32
      %dma_wait3A_45 = tpu.memref_slice %arg4[%add3A, %dma_wait3A, %dma_wait3A_44] : memref<32x79x128xi32, #tpu.memory_space<hbm>> -> memref<1x79x128xi32, #tpu.memory_space<hbm>>
      %dma_wait3A_46 = tpu.memref_squeeze %dma_wait3A_45 : memref<1x79x128xi32, #tpu.memory_space<hbm>> -> memref<79x128xi32, #tpu.memory_space<hbm>>
      %dma_wait3A_47 = arith.constant 0 : i32
      %dma_wait3A_48 = arith.constant 0 : i32
      %dma_wait3A_49 = tpu.memref_slice %arg4[%add3A, %dma_wait3A_47, %dma_wait3A_48] : memref<32x79x128xi32, #tpu.memory_space<hbm>> -> memref<1x79x128xi32, #tpu.memory_space<hbm>>
      %dma_wait3A_50 = tpu.memref_squeeze %dma_wait3A_49 : memref<1x79x128xi32, #tpu.memory_space<hbm>> -> memref<79x128xi32, #tpu.memory_space<hbm>>
      tpu.wait_dma2 semaphore(%run_scoped3A : memref<!tpu.dma_semaphore, #tpu.memory_space<semaphore_mem>>) src(%dma_wait3A_50 : memref<79x128xi32, #tpu.memory_space<hbm>>) dst(%arg7 : memref<79x128xi32, #tpu.memory_space<vmem>>)
      tpu.yield
    }) : () -> ()
    %scan3A_26 = arith.constant 0 : i32
    %scan3A_27 = arith.constant 0 : i32
    %scan3A_28 = arith.constant 79 : i32
    %scan3A_29 = arith.addi %scan3A_27, %scan3A_28 : i32
    %scan3A_30 = arith.constant 1 : i32
    scf.for %scan3A_37 = %scan3A_27 to %scan3A_29 step %scan3A_30  : i32 {
      %dma_start3A = arith.constant 0 : i32
      %dma_start3A_38 = tpu.memref_slice %arg6[%scan3A_37, %dma_start3A] : memref<79x128xi32, #tpu.memory_space<vmem>> -> memref<1x128xi32, #tpu.memory_space<vmem>>
      %dma_start3A_39 = tpu.memref_squeeze %dma_start3A_38 : memref<1x128xi32, #tpu.memory_space<vmem>> -> memref<128xi32, #tpu.memory_space<vmem>>
      %dma_start3A_40 = arith.constant 0 : i32
      %dma_start3A_41 = arith.constant 0 : i32
      %dma_start3A_42 = tpu.memref_slice %arg2[%dma_start3A_40, %dma_start3A_41] : memref<10240x128xf32, #tpu.memory_space<hbm>> -> memref<10240x128xf32, #tpu.memory_space<hbm>>
      tpu.enqueue_indirect_dma source(%dma_start3A_42 : memref<10240x128xf32, #tpu.memory_space<hbm>>) target(%arg8 : memref<128x128xf32, #tpu.memory_space<vmem>>) offsets(%dma_start3A_39 : memref<128xi32, #tpu.memory_space<vmem>>) semaphore(%arg10 : memref<!tpu.dma_semaphore, #tpu.memory_space<semaphore_mem>>)
      %dma_wait3A = arith.constant 0 : i32
      %dma_wait3A_43 = tpu.memref_slice %arg6[%scan3A_37, %dma_wait3A] : memref<79x128xi32, #tpu.memory_space<vmem>> -> memref<1x128xi32, #tpu.memory_space<vmem>>
      %dma_wait3A_44 = tpu.memref_squeeze %dma_wait3A_43 : memref<1x128xi32, #tpu.memory_space<vmem>> -> memref<128xi32, #tpu.memory_space<vmem>>
      %dma_wait3A_45 = arith.constant 0 : i32
      %dma_wait3A_46 = arith.constant 0 : i32
      %dma_wait3A_47 = tpu.memref_slice %arg2[%dma_wait3A_45, %dma_wait3A_46] : memref<10240x128xf32, #tpu.memory_space<hbm>> -> memref<10240x128xf32, #tpu.memory_space<hbm>>
      tpu.wait_indirect_dma semaphore(%arg10 : memref<!tpu.dma_semaphore, #tpu.memory_space<semaphore_mem>>) src(%dma_wait3A_47 : memref<10240x128xf32, #tpu.memory_space<hbm>>) dst(%arg8 : memref<128x128xf32, #tpu.memory_space<vmem>>)
      "tpu.region"() ({
        %run_scoped3A = tpu.sem_alloc : memref<!tpu.dma_semaphore, #tpu.memory_space<semaphore_mem>>
        %dma_start3A_48 = arith.constant 0 : i32
        %dma_start3A_49 = tpu.memref_slice %arg7[%scan3A_37, %dma_start3A_48] : memref<79x128xi32, #tpu.memory_space<vmem>> -> memref<1x128xi32, #tpu.memory_space<vmem>>
        %dma_start3A_50 = tpu.memref_squeeze %dma_start3A_49 : memref<1x128xi32, #tpu.memory_space<vmem>> -> memref<128xi32, #tpu.memory_space<vmem>>
        %dma_start3A_51 = arith.constant 0 : i32
        %dma_start3A_52 = arith.constant 0 : i32
        %dma_start3A_53 = tpu.memref_slice %arg9[%dma_start3A_51, %dma_start3A_52] : memref<10240x128xf32, #tpu.memory_space<vmem_shared>> -> memref<10240x128xf32, #tpu.memory_space<vmem_shared>>
        tpu.enqueue_indirect_dma source(%arg8 : memref<128x128xf32, #tpu.memory_space<vmem>>) target(%dma_start3A_53 : memref<10240x128xf32, #tpu.memory_space<vmem_shared>>) offsets(%dma_start3A_50 : memref<128xi32, #tpu.memory_space<vmem>>) semaphore(%run_scoped3A : memref<!tpu.dma_semaphore, #tpu.memory_space<semaphore_mem>>) {add = true}
        %dma_wait3A_54 = arith.constant 0 : i32
        %dma_wait3A_55 = tpu.memref_slice %arg7[%scan3A_37, %dma_wait3A_54] : memref<79x128xi32, #tpu.memory_space<vmem>> -> memref<1x128xi32, #tpu.memory_space<vmem>>
        %dma_wait3A_56 = tpu.memref_squeeze %dma_wait3A_55 : memref<1x128xi32, #tpu.memory_space<vmem>> -> memref<128xi32, #tpu.memory_space<vmem>>
        %dma_wait3A_57 = arith.constant 0 : i32
        %dma_wait3A_58 = arith.constant 0 : i32
        %dma_wait3A_59 = tpu.memref_slice %arg9[%dma_wait3A_57, %dma_wait3A_58] : memref<10240x128xf32, #tpu.memory_space<vmem_shared>> -> memref<10240x128xf32, #tpu.memory_space<vmem_shared>>
        tpu.wait_indirect_dma semaphore(%run_scoped3A : memref<!tpu.dma_semaphore, #tpu.memory_space<semaphore_mem>>) src(%arg8 : memref<128x128xf32, #tpu.memory_space<vmem>>) dst(%dma_wait3A_59 : memref<10240x128xf32, #tpu.memory_space<vmem_shared>>)
        tpu.yield
      }) : () -> ()
    }
    %scan3A_31 = arith.constant 79 : i32
    %barrier3A_32 = arith.constant 0 : index
    tpu.barrier barrier_id(%barrier3A_32)
    %mul3A_33 = arith.constant 640 : i32
    %mul3A_34 = arith.muli %arg1, %mul3A_33 : i32
    %mul3A_35 = arith.constant 640 : i32
    %mul3A_36 = arith.muli %arg1, %mul3A_35 : i32
    "tpu.region"() ({
      %run_scoped3A = tpu.sem_alloc : memref<!tpu.dma_semaphore, #tpu.memory_space<semaphore_mem>>
      %dma_start3A = arith.constant 0 : i32
      %dma_start3A_37 = tpu.memref_slice %arg5[%arg0, %mul3A_36, %dma_start3A] : memref<2x10240x128xf32, #tpu.memory_space<hbm>> -> memref<1x640x128xf32, #tpu.memory_space<hbm>>
      %dma_start3A_38 = tpu.memref_squeeze %dma_start3A_37 : memref<1x640x128xf32, #tpu.memory_space<hbm>> -> memref<640x128xf32, #tpu.memory_space<hbm>>
      %dma_start3A_39 = arith.constant 0 : i32
      %dma_start3A_40 = tpu.memref_slice %arg9[%mul3A_34, %dma_start3A_39] : memref<10240x128xf32, #tpu.memory_space<vmem_shared>> -> memref<640x128xf32, #tpu.memory_space<vmem_shared>>
      tpu.enqueue_dma source(%dma_start3A_40 : memref<640x128xf32, #tpu.memory_space<vmem_shared>>) target(%dma_start3A_38 : memref<640x128xf32, #tpu.memory_space<hbm>>) target_semaphore(%run_scoped3A : memref<!tpu.dma_semaphore, #tpu.memory_space<semaphore_mem>>)
      %dma_wait3A = arith.constant 0 : i32
      %dma_wait3A_41 = tpu.memref_slice %arg5[%arg0, %mul3A_36, %dma_wait3A] : memref<2x10240x128xf32, #tpu.memory_space<hbm>> -> memref<1x640x128xf32, #tpu.memory_space<hbm>>
      %dma_wait3A_42 = tpu.memref_squeeze %dma_wait3A_41 : memref<1x640x128xf32, #tpu.memory_space<hbm>> -> memref<640x128xf32, #tpu.memory_space<hbm>>
      %dma_wait3A_43 = arith.constant 0 : i32
      %dma_wait3A_44 = tpu.memref_slice %arg9[%mul3A_34, %dma_wait3A_43] : memref<10240x128xf32, #tpu.memory_space<vmem_shared>> -> memref<640x128xf32, #tpu.memory_space<vmem_shared>>
      tpu.wait_dma2 semaphore(%run_scoped3A : memref<!tpu.dma_semaphore, #tpu.memory_space<semaphore_mem>>) src(%dma_wait3A_44 : memref<640x128xf32, #tpu.memory_space<vmem_shared>>) dst(%dma_wait3A_42 : memref<640x128xf32, #tpu.memory_space<hbm>>)
      tpu.yield
    }) : () -> ()
    return
  }
}

#map = affine_map<(d0, d1) -> (0, 0, 0)>
#map1 = affine_map<(d0, d1) -> (0)>
module attributes {stable_mosaic.version = 14 : i64} {
  func.func @_sc_deg(%arg0: i32, %arg1: i32, %arg2: memref<32x79x128xi32, #tpu.memory_space<hbm>>, %arg3: memref<20480xf32, #tpu.memory_space<hbm>>, %arg4: memref<79x128xi32, #tpu.memory_space<vmem>>, %arg5: memref<128xf32, #tpu.memory_space<vmem>>, %arg6: memref<640xf32, #tpu.memory_space<vmem>>, %arg7: memref<10240xf32, #tpu.memory_space<vmem_shared>>) attributes {dimension_semantics = [#tpu.dimension_semantics<core_parallel>, #tpu.dimension_semantics<subcore_parallel>], iteration_bounds = array<i64: 2, 16>, scalar_prefetch = 0 : i64, scratch_operands = 4 : i64, tpu.core_type = #tpu.core_type<sc_vector_subcore>, window_params = [{transform_indices = #map}, {transform_indices = #map1}]} {
    %mul3A = arith.constant 16 : i32
    %mul3A_0 = arith.muli %arg0, %mul3A : i32
    %add3A = arith.addi %mul3A_0, %arg1 : i32
    %broadcast_in_dim3A = arith.constant 0.000000e+00 : f32
    %broadcast_in_dim3A_1 = vector.broadcast %broadcast_in_dim3A : f32 to vector<16xf32>
    %swap3A = arith.constant 0 : index
    %swap3A_2 = tpu.vector_load %arg6[%swap3A] {strides = array<i32>} : memref<640xf32, #tpu.memory_space<vmem>>, vector<16xf32>,
    %swap3A_3 = vector.shape_cast %swap3A_2 : vector<16xf32> to vector<16xf32>
    %swap3A_4 = vector.shape_cast %broadcast_in_dim3A_1 : vector<16xf32> to vector<16xf32>
    tpu.vector_store %arg6[%swap3A], %swap3A_4 {strides = array<i32>} : memref<640xf32, #tpu.memory_space<vmem>>, vector<16xf32>,
    %broadcast_in_dim3A_5 = arith.constant 0.000000e+00 : f32
    %broadcast_in_dim3A_6 = vector.broadcast %broadcast_in_dim3A_5 : f32 to vector<16xf32>
    %swap3A_7 = arith.constant 16 : index
    %swap3A_8 = tpu.vector_load %arg6[%swap3A_7] {strides = array<i32>} : memref<640xf32, #tpu.memory_space<vmem>>, vector<16xf32>,
    %swap3A_9 = vector.shape_cast %swap3A_8 : vector<16xf32> to vector<16xf32>
    %swap3A_10 = vector.shape_cast %broadcast_in_dim3A_6 : vector<16xf32> to vector<16xf32>
    tpu.vector_store %arg6[%swap3A_7], %swap3A_10 {strides = array<i32>} : memref<640xf32, #tpu.memory_space<vmem>>, vector<16xf32>,
    %broadcast_in_dim3A_11 = arith.constant 0.000000e+00 : f32
    %broadcast_in_dim3A_12 = vector.broadcast %broadcast_in_dim3A_11 : f32 to vector<16xf32>
    %swap3A_13 = arith.constant 32 : index
    %swap3A_14 = tpu.vector_load %arg6[%swap3A_13] {strides = array<i32>} : memref<640xf32, #tpu.memory_space<vmem>>, vector<16xf32>,
    %swap3A_15 = vector.shape_cast %swap3A_14 : vector<16xf32> to vector<16xf32>
    %swap3A_16 = vector.shape_cast %broadcast_in_dim3A_12 : vector<16xf32> to vector<16xf32>
    tpu.vector_store %arg6[%swap3A_13], %swap3A_16 {strides = array<i32>} : memref<640xf32, #tpu.memory_space<vmem>>, vector<16xf32>,
    %broadcast_in_dim3A_17 = arith.constant 0.000000e+00 : f32
    %broadcast_in_dim3A_18 = vector.broadcast %broadcast_in_dim3A_17 : f32 to vector<16xf32>
    %swap3A_19 = arith.constant 48 : index
    %swap3A_20 = tpu.vector_load %arg6[%swap3A_19] {strides = array<i32>} : memref<640xf32, #tpu.memory_space<vmem>>, vector<16xf32>,
    %swap3A_21 = vector.shape_cast %swap3A_20 : vector<16xf32> to vector<16xf32>
    %swap3A_22 = vector.shape_cast %broadcast_in_dim3A_18 : vector<16xf32> to vector<16xf32>
    tpu.vector_store %arg6[%swap3A_19], %swap3A_22 {strides = array<i32>} : memref<640xf32, #tpu.memory_space<vmem>>, vector<16xf32>,
    %broadcast_in_dim3A_23 = arith.constant 0.000000e+00 : f32
    %broadcast_in_dim3A_24 = vector.broadcast %broadcast_in_dim3A_23 : f32 to vector<16xf32>
    %swap3A_25 = arith.constant 64 : index
    %swap3A_26 = tpu.vector_load %arg6[%swap3A_25] {strides = array<i32>} : memref<640xf32, #tpu.memory_space<vmem>>, vector<16xf32>,
    %swap3A_27 = vector.shape_cast %swap3A_26 : vector<16xf32> to vector<16xf32>
    %swap3A_28 = vector.shape_cast %broadcast_in_dim3A_24 : vector<16xf32> to vector<16xf32>
    tpu.vector_store %arg6[%swap3A_25], %swap3A_28 {strides = array<i32>} : memref<640xf32, #tpu.memory_space<vmem>>, vector<16xf32>,
    %broadcast_in_dim3A_29 = arith.constant 0.000000e+00 : f32
    %broadcast_in_dim3A_30 = vector.broadcast %broadcast_in_dim3A_29 : f32 to vector<16xf32>
    %swap3A_31 = arith.constant 80 : index
    %swap3A_32 = tpu.vector_load %arg6[%swap3A_31] {strides = array<i32>} : memref<640xf32, #tpu.memory_space<vmem>>, vector<16xf32>,
    %swap3A_33 = vector.shape_cast %swap3A_32 : vector<16xf32> to vector<16xf32>
    %swap3A_34 = vector.shape_cast %broadcast_in_dim3A_30 : vector<16xf32> to vector<16xf32>
    tpu.vector_store %arg6[%swap3A_31], %swap3A_34 {strides = array<i32>} : memref<640xf32, #tpu.memory_space<vmem>>, vector<16xf32>,
    %broadcast_in_dim3A_35 = arith.constant 0.000000e+00 : f32
    %broadcast_in_dim3A_36 = vector.broadcast %broadcast_in_dim3A_35 : f32 to vector<16xf32>
    %swap3A_37 = arith.constant 96 : index
    %swap3A_38 = tpu.vector_load %arg6[%swap3A_37] {strides = array<i32>} : memref<640xf32, #tpu.memory_space<vmem>>, vector<16xf32>,
    %swap3A_39 = vector.shape_cast %swap3A_38 : vector<16xf32> to vector<16xf32>
    %swap3A_40 = vector.shape_cast %broadcast_in_dim3A_36 : vector<16xf32> to vector<16xf32>
    tpu.vector_store %arg6[%swap3A_37], %swap3A_40 {strides = array<i32>} : memref<640xf32, #tpu.memory_space<vmem>>, vector<16xf32>,
    %broadcast_in_dim3A_41 = arith.constant 0.000000e+00 : f32
    %broadcast_in_dim3A_42 = vector.broadcast %broadcast_in_dim3A_41 : f32 to vector<16xf32>
    %swap3A_43 = arith.constant 112 : index
    %swap3A_44 = tpu.vector_load %arg6[%swap3A_43] {strides = array<i32>} : memref<640xf32, #tpu.memory_space<vmem>>, vector<16xf32>,
    %swap3A_45 = vector.shape_cast %swap3A_44 : vector<16xf32> to vector<16xf32>
    %swap3A_46 = vector.shape_cast %broadcast_in_dim3A_42 : vector<16xf32> to vector<16xf32>
    tpu.vector_store %arg6[%swap3A_43], %swap3A_46 {strides = array<i32>} : memref<640xf32, #tpu.memory_space<vmem>>, vector<16xf32>,
    %broadcast_in_dim3A_47 = arith.constant 0.000000e+00 : f32
    %broadcast_in_dim3A_48 = vector.broadcast %broadcast_in_dim3A_47 : f32 to vector<16xf32>
    %swap3A_49 = arith.constant 128 : index
    %swap3A_50 = tpu.vector_load %arg6[%swap3A_49] {strides = array<i32>} : memref<640xf32, #tpu.memory_space<vmem>>, vector<16xf32>,
    %swap3A_51 = vector.shape_cast %swap3A_50 : vector<16xf32> to vector<16xf32>
    %swap3A_52 = vector.shape_cast %broadcast_in_dim3A_48 : vector<16xf32> to vector<16xf32>
    tpu.vector_store %arg6[%swap3A_49], %swap3A_52 {strides = array<i32>} : memref<640xf32, #tpu.memory_space<vmem>>, vector<16xf32>,
    %broadcast_in_dim3A_53 = arith.constant 0.000000e+00 : f32
    %broadcast_in_dim3A_54 = vector.broadcast %broadcast_in_dim3A_53 : f32 to vector<16xf32>
    %swap3A_55 = arith.constant 144 : index
    %swap3A_56 = tpu.vector_load %arg6[%swap3A_55] {strides = array<i32>} : memref<640xf32, #tpu.memory_space<vmem>>, vector<16xf32>,
    %swap3A_57 = vector.shape_cast %swap3A_56 : vector<16xf32> to vector<16xf32>
    %swap3A_58 = vector.shape_cast %broadcast_in_dim3A_54 : vector<16xf32> to vector<16xf32>
    tpu.vector_store %arg6[%swap3A_55], %swap3A_58 {strides = array<i32>} : memref<640xf32, #tpu.memory_space<vmem>>, vector<16xf32>,
    %broadcast_in_dim3A_59 = arith.constant 0.000000e+00 : f32
    %broadcast_in_dim3A_60 = vector.broadcast %broadcast_in_dim3A_59 : f32 to vector<16xf32>
    %swap3A_61 = arith.constant 160 : index
    %swap3A_62 = tpu.vector_load %arg6[%swap3A_61] {strides = array<i32>} : memref<640xf32, #tpu.memory_space<vmem>>, vector<16xf32>,
    %swap3A_63 = vector.shape_cast %swap3A_62 : vector<16xf32> to vector<16xf32>
    %swap3A_64 = vector.shape_cast %broadcast_in_dim3A_60 : vector<16xf32> to vector<16xf32>
    tpu.vector_store %arg6[%swap3A_61], %swap3A_64 {strides = array<i32>} : memref<640xf32, #tpu.memory_space<vmem>>, vector<16xf32>,
    %broadcast_in_dim3A_65 = arith.constant 0.000000e+00 : f32
    %broadcast_in_dim3A_66 = vector.broadcast %broadcast_in_dim3A_65 : f32 to vector<16xf32>
    %swap3A_67 = arith.constant 176 : index
    %swap3A_68 = tpu.vector_load %arg6[%swap3A_67] {strides = array<i32>} : memref<640xf32, #tpu.memory_space<vmem>>, vector<16xf32>,
    %swap3A_69 = vector.shape_cast %swap3A_68 : vector<16xf32> to vector<16xf32>
    %swap3A_70 = vector.shape_cast %broadcast_in_dim3A_66 : vector<16xf32> to vector<16xf32>
    tpu.vector_store %arg6[%swap3A_67], %swap3A_70 {strides = array<i32>} : memref<640xf32, #tpu.memory_space<vmem>>, vector<16xf32>,
    %broadcast_in_dim3A_71 = arith.constant 0.000000e+00 : f32
    %broadcast_in_dim3A_72 = vector.broadcast %broadcast_in_dim3A_71 : f32 to vector<16xf32>
    %swap3A_73 = arith.constant 192 : index
    %swap3A_74 = tpu.vector_load %arg6[%swap3A_73] {strides = array<i32>} : memref<640xf32, #tpu.memory_space<vmem>>, vector<16xf32>,
    %swap3A_75 = vector.shape_cast %swap3A_74 : vector<16xf32> to vector<16xf32>
    %swap3A_76 = vector.shape_cast %broadcast_in_dim3A_72 : vector<16xf32> to vector<16xf32>
    tpu.vector_store %arg6[%swap3A_73], %swap3A_76 {strides = array<i32>} : memref<640xf32, #tpu.memory_space<vmem>>, vector<16xf32>,
    %broadcast_in_dim3A_77 = arith.constant 0.000000e+00 : f32
    %broadcast_in_dim3A_78 = vector.broadcast %broadcast_in_dim3A_77 : f32 to vector<16xf32>
    %swap3A_79 = arith.constant 208 : index
    %swap3A_80 = tpu.vector_load %arg6[%swap3A_79] {strides = array<i32>} : memref<640xf32, #tpu.memory_space<vmem>>, vector<16xf32>,
    %swap3A_81 = vector.shape_cast %swap3A_80 : vector<16xf32> to vector<16xf32>
    %swap3A_82 = vector.shape_cast %broadcast_in_dim3A_78 : vector<16xf32> to vector<16xf32>
    tpu.vector_store %arg6[%swap3A_79], %swap3A_82 {strides = array<i32>} : memref<640xf32, #tpu.memory_space<vmem>>, vector<16xf32>,
    %broadcast_in_dim3A_83 = arith.constant 0.000000e+00 : f32
    %broadcast_in_dim3A_84 = vector.broadcast %broadcast_in_dim3A_83 : f32 to vector<16xf32>
    %swap3A_85 = arith.constant 224 : index
    %swap3A_86 = tpu.vector_load %arg6[%swap3A_85] {strides = array<i32>} : memref<640xf32, #tpu.memory_space<vmem>>, vector<16xf32>,
    %swap3A_87 = vector.shape_cast %swap3A_86 : vector<16xf32> to vector<16xf32>
    %swap3A_88 = vector.shape_cast %broadcast_in_dim3A_84 : vector<16xf32> to vector<16xf32>
    tpu.vector_store %arg6[%swap3A_85], %swap3A_88 {strides = array<i32>} : memref<640xf32, #tpu.memory_space<vmem>>, vector<16xf32>,
    %broadcast_in_dim3A_89 = arith.constant 0.000000e+00 : f32
    %broadcast_in_dim3A_90 = vector.broadcast %broadcast_in_dim3A_89 : f32 to vector<16xf32>
    %swap3A_91 = arith.constant 240 : index
    %swap3A_92 = tpu.vector_load %arg6[%swap3A_91] {strides = array<i32>} : memref<640xf32, #tpu.memory_space<vmem>>, vector<16xf32>,
    %swap3A_93 = vector.shape_cast %swap3A_92 : vector<16xf32> to vector<16xf32>
    %swap3A_94 = vector.shape_cast %broadcast_in_dim3A_90 : vector<16xf32> to vector<16xf32>
    tpu.vector_store %arg6[%swap3A_91], %swap3A_94 {strides = array<i32>} : memref<640xf32, #tpu.memory_space<vmem>>, vector<16xf32>,
    %broadcast_in_dim3A_95 = arith.constant 0.000000e+00 : f32
    %broadcast_in_dim3A_96 = vector.broadcast %broadcast_in_dim3A_95 : f32 to vector<16xf32>
    %swap3A_97 = arith.constant 256 : index
    %swap3A_98 = tpu.vector_load %arg6[%swap3A_97] {strides = array<i32>} : memref<640xf32, #tpu.memory_space<vmem>>, vector<16xf32>,
    %swap3A_99 = vector.shape_cast %swap3A_98 : vector<16xf32> to vector<16xf32>
    %swap3A_100 = vector.shape_cast %broadcast_in_dim3A_96 : vector<16xf32> to vector<16xf32>
    tpu.vector_store %arg6[%swap3A_97], %swap3A_100 {strides = array<i32>} : memref<640xf32, #tpu.memory_space<vmem>>, vector<16xf32>,
    %broadcast_in_dim3A_101 = arith.constant 0.000000e+00 : f32
    %broadcast_in_dim3A_102 = vector.broadcast %broadcast_in_dim3A_101 : f32 to vector<16xf32>
    %swap3A_103 = arith.constant 272 : index
    %swap3A_104 = tpu.vector_load %arg6[%swap3A_103] {strides = array<i32>} : memref<640xf32, #tpu.memory_space<vmem>>, vector<16xf32>,
    %swap3A_105 = vector.shape_cast %swap3A_104 : vector<16xf32> to vector<16xf32>
    %swap3A_106 = vector.shape_cast %broadcast_in_dim3A_102 : vector<16xf32> to vector<16xf32>
    tpu.vector_store %arg6[%swap3A_103], %swap3A_106 {strides = array<i32>} : memref<640xf32, #tpu.memory_space<vmem>>, vector<16xf32>,
    %broadcast_in_dim3A_107 = arith.constant 0.000000e+00 : f32
    %broadcast_in_dim3A_108 = vector.broadcast %broadcast_in_dim3A_107 : f32 to vector<16xf32>
    %swap3A_109 = arith.constant 288 : index
    %swap3A_110 = tpu.vector_load %arg6[%swap3A_109] {strides = array<i32>} : memref<640xf32, #tpu.memory_space<vmem>>, vector<16xf32>,
    %swap3A_111 = vector.shape_cast %swap3A_110 : vector<16xf32> to vector<16xf32>
    %swap3A_112 = vector.shape_cast %broadcast_in_dim3A_108 : vector<16xf32> to vector<16xf32>
    tpu.vector_store %arg6[%swap3A_109], %swap3A_112 {strides = array<i32>} : memref<640xf32, #tpu.memory_space<vmem>>, vector<16xf32>,
    %broadcast_in_dim3A_113 = arith.constant 0.000000e+00 : f32
    %broadcast_in_dim3A_114 = vector.broadcast %broadcast_in_dim3A_113 : f32 to vector<16xf32>
    %swap3A_115 = arith.constant 304 : index
    %swap3A_116 = tpu.vector_load %arg6[%swap3A_115] {strides = array<i32>} : memref<640xf32, #tpu.memory_space<vmem>>, vector<16xf32>,
    %swap3A_117 = vector.shape_cast %swap3A_116 : vector<16xf32> to vector<16xf32>
    %swap3A_118 = vector.shape_cast %broadcast_in_dim3A_114 : vector<16xf32> to vector<16xf32>
    tpu.vector_store %arg6[%swap3A_115], %swap3A_118 {strides = array<i32>} : memref<640xf32, #tpu.memory_space<vmem>>, vector<16xf32>,
    %broadcast_in_dim3A_119 = arith.constant 0.000000e+00 : f32
    %broadcast_in_dim3A_120 = vector.broadcast %broadcast_in_dim3A_119 : f32 to vector<16xf32>
    %swap3A_121 = arith.constant 320 : index
    %swap3A_122 = tpu.vector_load %arg6[%swap3A_121] {strides = array<i32>} : memref<640xf32, #tpu.memory_space<vmem>>, vector<16xf32>,
    %swap3A_123 = vector.shape_cast %swap3A_122 : vector<16xf32> to vector<16xf32>
    %swap3A_124 = vector.shape_cast %broadcast_in_dim3A_120 : vector<16xf32> to vector<16xf32>
    tpu.vector_store %arg6[%swap3A_121], %swap3A_124 {strides = array<i32>} : memref<640xf32, #tpu.memory_space<vmem>>, vector<16xf32>,
    %broadcast_in_dim3A_125 = arith.constant 0.000000e+00 : f32
    %broadcast_in_dim3A_126 = vector.broadcast %broadcast_in_dim3A_125 : f32 to vector<16xf32>
    %swap3A_127 = arith.constant 336 : index
    %swap3A_128 = tpu.vector_load %arg6[%swap3A_127] {strides = array<i32>} : memref<640xf32, #tpu.memory_space<vmem>>, vector<16xf32>,
    %swap3A_129 = vector.shape_cast %swap3A_128 : vector<16xf32> to vector<16xf32>
    %swap3A_130 = vector.shape_cast %broadcast_in_dim3A_126 : vector<16xf32> to vector<16xf32>
    tpu.vector_store %arg6[%swap3A_127], %swap3A_130 {strides = array<i32>} : memref<640xf32, #tpu.memory_space<vmem>>, vector<16xf32>,
    %broadcast_in_dim3A_131 = arith.constant 0.000000e+00 : f32
    %broadcast_in_dim3A_132 = vector.broadcast %broadcast_in_dim3A_131 : f32 to vector<16xf32>
    %swap3A_133 = arith.constant 352 : index
    %swap3A_134 = tpu.vector_load %arg6[%swap3A_133] {strides = array<i32>} : memref<640xf32, #tpu.memory_space<vmem>>, vector<16xf32>,
    %swap3A_135 = vector.shape_cast %swap3A_134 : vector<16xf32> to vector<16xf32>
    %swap3A_136 = vector.shape_cast %broadcast_in_dim3A_132 : vector<16xf32> to vector<16xf32>
    tpu.vector_store %arg6[%swap3A_133], %swap3A_136 {strides = array<i32>} : memref<640xf32, #tpu.memory_space<vmem>>, vector<16xf32>,
    %broadcast_in_dim3A_137 = arith.constant 0.000000e+00 : f32
    %broadcast_in_dim3A_138 = vector.broadcast %broadcast_in_dim3A_137 : f32 to vector<16xf32>
    %swap3A_139 = arith.constant 368 : index
    %swap3A_140 = tpu.vector_load %arg6[%swap3A_139] {strides = array<i32>} : memref<640xf32, #tpu.memory_space<vmem>>, vector<16xf32>,
    %swap3A_141 = vector.shape_cast %swap3A_140 : vector<16xf32> to vector<16xf32>
    %swap3A_142 = vector.shape_cast %broadcast_in_dim3A_138 : vector<16xf32> to vector<16xf32>
    tpu.vector_store %arg6[%swap3A_139], %swap3A_142 {strides = array<i32>} : memref<640xf32, #tpu.memory_space<vmem>>, vector<16xf32>,
    %broadcast_in_dim3A_143 = arith.constant 0.000000e+00 : f32
    %broadcast_in_dim3A_144 = vector.broadcast %broadcast_in_dim3A_143 : f32 to vector<16xf32>
    %swap3A_145 = arith.constant 384 : index
    %swap3A_146 = tpu.vector_load %arg6[%swap3A_145] {strides = array<i32>} : memref<640xf32, #tpu.memory_space<vmem>>, vector<16xf32>,
    %swap3A_147 = vector.shape_cast %swap3A_146 : vector<16xf32> to vector<16xf32>
    %swap3A_148 = vector.shape_cast %broadcast_in_dim3A_144 : vector<16xf32> to vector<16xf32>
    tpu.vector_store %arg6[%swap3A_145], %swap3A_148 {strides = array<i32>} : memref<640xf32, #tpu.memory_space<vmem>>, vector<16xf32>,
    %broadcast_in_dim3A_149 = arith.constant 0.000000e+00 : f32
    %broadcast_in_dim3A_150 = vector.broadcast %broadcast_in_dim3A_149 : f32 to vector<16xf32>
    %swap3A_151 = arith.constant 400 : index
    %swap3A_152 = tpu.vector_load %arg6[%swap3A_151] {strides = array<i32>} : memref<640xf32, #tpu.memory_space<vmem>>, vector<16xf32>,
    %swap3A_153 = vector.shape_cast %swap3A_152 : vector<16xf32> to vector<16xf32>
    %swap3A_154 = vector.shape_cast %broadcast_in_dim3A_150 : vector<16xf32> to vector<16xf32>
    tpu.vector_store %arg6[%swap3A_151], %swap3A_154 {strides = array<i32>} : memref<640xf32, #tpu.memory_space<vmem>>, vector<16xf32>,
    %broadcast_in_dim3A_155 = arith.constant 0.000000e+00 : f32
    %broadcast_in_dim3A_156 = vector.broadcast %broadcast_in_dim3A_155 : f32 to vector<16xf32>
    %swap3A_157 = arith.constant 416 : index
    %swap3A_158 = tpu.vector_load %arg6[%swap3A_157] {strides = array<i32>} : memref<640xf32, #tpu.memory_space<vmem>>, vector<16xf32>,
    %swap3A_159 = vector.shape_cast %swap3A_158 : vector<16xf32> to vector<16xf32>
    %swap3A_160 = vector.shape_cast %broadcast_in_dim3A_156 : vector<16xf32> to vector<16xf32>
    tpu.vector_store %arg6[%swap3A_157], %swap3A_160 {strides = array<i32>} : memref<640xf32, #tpu.memory_space<vmem>>, vector<16xf32>,
    %broadcast_in_dim3A_161 = arith.constant 0.000000e+00 : f32
    %broadcast_in_dim3A_162 = vector.broadcast %broadcast_in_dim3A_161 : f32 to vector<16xf32>
    %swap3A_163 = arith.constant 432 : index
    %swap3A_164 = tpu.vector_load %arg6[%swap3A_163] {strides = array<i32>} : memref<640xf32, #tpu.memory_space<vmem>>, vector<16xf32>,
    %swap3A_165 = vector.shape_cast %swap3A_164 : vector<16xf32> to vector<16xf32>
    %swap3A_166 = vector.shape_cast %broadcast_in_dim3A_162 : vector<16xf32> to vector<16xf32>
    tpu.vector_store %arg6[%swap3A_163], %swap3A_166 {strides = array<i32>} : memref<640xf32, #tpu.memory_space<vmem>>, vector<16xf32>,
    %broadcast_in_dim3A_167 = arith.constant 0.000000e+00 : f32
    %broadcast_in_dim3A_168 = vector.broadcast %broadcast_in_dim3A_167 : f32 to vector<16xf32>
    %swap3A_169 = arith.constant 448 : index
    %swap3A_170 = tpu.vector_load %arg6[%swap3A_169] {strides = array<i32>} : memref<640xf32, #tpu.memory_space<vmem>>, vector<16xf32>,
    %swap3A_171 = vector.shape_cast %swap3A_170 : vector<16xf32> to vector<16xf32>
    %swap3A_172 = vector.shape_cast %broadcast_in_dim3A_168 : vector<16xf32> to vector<16xf32>
    tpu.vector_store %arg6[%swap3A_169], %swap3A_172 {strides = array<i32>} : memref<640xf32, #tpu.memory_space<vmem>>, vector<16xf32>,
    %broadcast_in_dim3A_173 = arith.constant 0.000000e+00 : f32
    %broadcast_in_dim3A_174 = vector.broadcast %broadcast_in_dim3A_173 : f32 to vector<16xf32>
    %swap3A_175 = arith.constant 464 : index
    %swap3A_176 = tpu.vector_load %arg6[%swap3A_175] {strides = array<i32>} : memref<640xf32, #tpu.memory_space<vmem>>, vector<16xf32>,
    %swap3A_177 = vector.shape_cast %swap3A_176 : vector<16xf32> to vector<16xf32>
    %swap3A_178 = vector.shape_cast %broadcast_in_dim3A_174 : vector<16xf32> to vector<16xf32>
    tpu.vector_store %arg6[%swap3A_175], %swap3A_178 {strides = array<i32>} : memref<640xf32, #tpu.memory_space<vmem>>, vector<16xf32>,
    %broadcast_in_dim3A_179 = arith.constant 0.000000e+00 : f32
    %broadcast_in_dim3A_180 = vector.broadcast %broadcast_in_dim3A_179 : f32 to vector<16xf32>
    %swap3A_181 = arith.constant 480 : index
    %swap3A_182 = tpu.vector_load %arg6[%swap3A_181] {strides = array<i32>} : memref<640xf32, #tpu.memory_space<vmem>>, vector<16xf32>,
    %swap3A_183 = vector.shape_cast %swap3A_182 : vector<16xf32> to vector<16xf32>
    %swap3A_184 = vector.shape_cast %broadcast_in_dim3A_180 : vector<16xf32> to vector<16xf32>
    tpu.vector_store %arg6[%swap3A_181], %swap3A_184 {strides = array<i32>} : memref<640xf32, #tpu.memory_space<vmem>>, vector<16xf32>,
    %broadcast_in_dim3A_185 = arith.constant 0.000000e+00 : f32
    %broadcast_in_dim3A_186 = vector.broadcast %broadcast_in_dim3A_185 : f32 to vector<16xf32>
    %swap3A_187 = arith.constant 496 : index
    %swap3A_188 = tpu.vector_load %arg6[%swap3A_187] {strides = array<i32>} : memref<640xf32, #tpu.memory_space<vmem>>, vector<16xf32>,
    %swap3A_189 = vector.shape_cast %swap3A_188 : vector<16xf32> to vector<16xf32>
    %swap3A_190 = vector.shape_cast %broadcast_in_dim3A_186 : vector<16xf32> to vector<16xf32>
    tpu.vector_store %arg6[%swap3A_187], %swap3A_190 {strides = array<i32>} : memref<640xf32, #tpu.memory_space<vmem>>, vector<16xf32>,
    %broadcast_in_dim3A_191 = arith.constant 0.000000e+00 : f32
    %broadcast_in_dim3A_192 = vector.broadcast %broadcast_in_dim3A_191 : f32 to vector<16xf32>
    %swap3A_193 = arith.constant 512 : index
    %swap3A_194 = tpu.vector_load %arg6[%swap3A_193] {strides = array<i32>} : memref<640xf32, #tpu.memory_space<vmem>>, vector<16xf32>,
    %swap3A_195 = vector.shape_cast %swap3A_194 : vector<16xf32> to vector<16xf32>
    %swap3A_196 = vector.shape_cast %broadcast_in_dim3A_192 : vector<16xf32> to vector<16xf32>
    tpu.vector_store %arg6[%swap3A_193], %swap3A_196 {strides = array<i32>} : memref<640xf32, #tpu.memory_space<vmem>>, vector<16xf32>,
    %broadcast_in_dim3A_197 = arith.constant 0.000000e+00 : f32
    %broadcast_in_dim3A_198 = vector.broadcast %broadcast_in_dim3A_197 : f32 to vector<16xf32>
    %swap3A_199 = arith.constant 528 : index
    %swap3A_200 = tpu.vector_load %arg6[%swap3A_199] {strides = array<i32>} : memref<640xf32, #tpu.memory_space<vmem>>, vector<16xf32>,
    %swap3A_201 = vector.shape_cast %swap3A_200 : vector<16xf32> to vector<16xf32>
    %swap3A_202 = vector.shape_cast %broadcast_in_dim3A_198 : vector<16xf32> to vector<16xf32>
    tpu.vector_store %arg6[%swap3A_199], %swap3A_202 {strides = array<i32>} : memref<640xf32, #tpu.memory_space<vmem>>, vector<16xf32>,
    %broadcast_in_dim3A_203 = arith.constant 0.000000e+00 : f32
    %broadcast_in_dim3A_204 = vector.broadcast %broadcast_in_dim3A_203 : f32 to vector<16xf32>
    %swap3A_205 = arith.constant 544 : index
    %swap3A_206 = tpu.vector_load %arg6[%swap3A_205] {strides = array<i32>} : memref<640xf32, #tpu.memory_space<vmem>>, vector<16xf32>,
    %swap3A_207 = vector.shape_cast %swap3A_206 : vector<16xf32> to vector<16xf32>
    %swap3A_208 = vector.shape_cast %broadcast_in_dim3A_204 : vector<16xf32> to vector<16xf32>
    tpu.vector_store %arg6[%swap3A_205], %swap3A_208 {strides = array<i32>} : memref<640xf32, #tpu.memory_space<vmem>>, vector<16xf32>,
    %broadcast_in_dim3A_209 = arith.constant 0.000000e+00 : f32
    %broadcast_in_dim3A_210 = vector.broadcast %broadcast_in_dim3A_209 : f32 to vector<16xf32>
    %swap3A_211 = arith.constant 560 : index
    %swap3A_212 = tpu.vector_load %arg6[%swap3A_211] {strides = array<i32>} : memref<640xf32, #tpu.memory_space<vmem>>, vector<16xf32>,
    %swap3A_213 = vector.shape_cast %swap3A_212 : vector<16xf32> to vector<16xf32>
    %swap3A_214 = vector.shape_cast %broadcast_in_dim3A_210 : vector<16xf32> to vector<16xf32>
    tpu.vector_store %arg6[%swap3A_211], %swap3A_214 {strides = array<i32>} : memref<640xf32, #tpu.memory_space<vmem>>, vector<16xf32>,
    %broadcast_in_dim3A_215 = arith.constant 0.000000e+00 : f32
    %broadcast_in_dim3A_216 = vector.broadcast %broadcast_in_dim3A_215 : f32 to vector<16xf32>
    %swap3A_217 = arith.constant 576 : index
    %swap3A_218 = tpu.vector_load %arg6[%swap3A_217] {strides = array<i32>} : memref<640xf32, #tpu.memory_space<vmem>>, vector<16xf32>,
    %swap3A_219 = vector.shape_cast %swap3A_218 : vector<16xf32> to vector<16xf32>
    %swap3A_220 = vector.shape_cast %broadcast_in_dim3A_216 : vector<16xf32> to vector<16xf32>
    tpu.vector_store %arg6[%swap3A_217], %swap3A_220 {strides = array<i32>} : memref<640xf32, #tpu.memory_space<vmem>>, vector<16xf32>,
    %broadcast_in_dim3A_221 = arith.constant 0.000000e+00 : f32
    %broadcast_in_dim3A_222 = vector.broadcast %broadcast_in_dim3A_221 : f32 to vector<16xf32>
    %swap3A_223 = arith.constant 592 : index
    %swap3A_224 = tpu.vector_load %arg6[%swap3A_223] {strides = array<i32>} : memref<640xf32, #tpu.memory_space<vmem>>, vector<16xf32>,
    %swap3A_225 = vector.shape_cast %swap3A_224 : vector<16xf32> to vector<16xf32>
    %swap3A_226 = vector.shape_cast %broadcast_in_dim3A_222 : vector<16xf32> to vector<16xf32>
    tpu.vector_store %arg6[%swap3A_223], %swap3A_226 {strides = array<i32>} : memref<640xf32, #tpu.memory_space<vmem>>, vector<16xf32>,
    %broadcast_in_dim3A_227 = arith.constant 0.000000e+00 : f32
    %broadcast_in_dim3A_228 = vector.broadcast %broadcast_in_dim3A_227 : f32 to vector<16xf32>
    %swap3A_229 = arith.constant 608 : index
    %swap3A_230 = tpu.vector_load %arg6[%swap3A_229] {strides = array<i32>} : memref<640xf32, #tpu.memory_space<vmem>>, vector<16xf32>,
    %swap3A_231 = vector.shape_cast %swap3A_230 : vector<16xf32> to vector<16xf32>
    %swap3A_232 = vector.shape_cast %broadcast_in_dim3A_228 : vector<16xf32> to vector<16xf32>
    tpu.vector_store %arg6[%swap3A_229], %swap3A_232 {strides = array<i32>} : memref<640xf32, #tpu.memory_space<vmem>>, vector<16xf32>,
    %broadcast_in_dim3A_233 = arith.constant 0.000000e+00 : f32
    %broadcast_in_dim3A_234 = vector.broadcast %broadcast_in_dim3A_233 : f32 to vector<16xf32>
    %swap3A_235 = arith.constant 624 : index
    %swap3A_236 = tpu.vector_load %arg6[%swap3A_235] {strides = array<i32>} : memref<640xf32, #tpu.memory_space<vmem>>, vector<16xf32>,
    %swap3A_237 = vector.shape_cast %swap3A_236 : vector<16xf32> to vector<16xf32>
    %swap3A_238 = vector.shape_cast %broadcast_in_dim3A_234 : vector<16xf32> to vector<16xf32>
    tpu.vector_store %arg6[%swap3A_235], %swap3A_238 {strides = array<i32>} : memref<640xf32, #tpu.memory_space<vmem>>, vector<16xf32>,
    %broadcast_in_dim3A_239 = arith.constant 1.000000e+00 : f32
    %broadcast_in_dim3A_240 = vector.broadcast %broadcast_in_dim3A_239 : f32 to vector<16xf32>
    %swap3A_241 = arith.constant 0 : index
    %swap3A_242 = tpu.vector_load %arg5[%swap3A_241] {strides = array<i32>} : memref<128xf32, #tpu.memory_space<vmem>>, vector<16xf32>,
    %swap3A_243 = vector.shape_cast %swap3A_242 : vector<16xf32> to vector<16xf32>
    %swap3A_244 = vector.shape_cast %broadcast_in_dim3A_240 : vector<16xf32> to vector<16xf32>
    tpu.vector_store %arg5[%swap3A_241], %swap3A_244 {strides = array<i32>} : memref<128xf32, #tpu.memory_space<vmem>>, vector<16xf32>,
    %broadcast_in_dim3A_245 = arith.constant 1.000000e+00 : f32
    %broadcast_in_dim3A_246 = vector.broadcast %broadcast_in_dim3A_245 : f32 to vector<16xf32>
    %swap3A_247 = arith.constant 16 : index
    %swap3A_248 = tpu.vector_load %arg5[%swap3A_247] {strides = array<i32>} : memref<128xf32, #tpu.memory_space<vmem>>, vector<16xf32>,
    %swap3A_249 = vector.shape_cast %swap3A_248 : vector<16xf32> to vector<16xf32>
    %swap3A_250 = vector.shape_cast %broadcast_in_dim3A_246 : vector<16xf32> to vector<16xf32>
    tpu.vector_store %arg5[%swap3A_247], %swap3A_250 {strides = array<i32>} : memref<128xf32, #tpu.memory_space<vmem>>, vector<16xf32>,
    %broadcast_in_dim3A_251 = arith.constant 1.000000e+00 : f32
    %broadcast_in_dim3A_252 = vector.broadcast %broadcast_in_dim3A_251 : f32 to vector<16xf32>
    %swap3A_253 = arith.constant 32 : index
    %swap3A_254 = tpu.vector_load %arg5[%swap3A_253] {strides = array<i32>} : memref<128xf32, #tpu.memory_space<vmem>>, vector<16xf32>,
    %swap3A_255 = vector.shape_cast %swap3A_254 : vector<16xf32> to vector<16xf32>
    %swap3A_256 = vector.shape_cast %broadcast_in_dim3A_252 : vector<16xf32> to vector<16xf32>
    tpu.vector_store %arg5[%swap3A_253], %swap3A_256 {strides = array<i32>} : memref<128xf32, #tpu.memory_space<vmem>>, vector<16xf32>,
    %broadcast_in_dim3A_257 = arith.constant 1.000000e+00 : f32
    %broadcast_in_dim3A_258 = vector.broadcast %broadcast_in_dim3A_257 : f32 to vector<16xf32>
    %swap3A_259 = arith.constant 48 : index
    %swap3A_260 = tpu.vector_load %arg5[%swap3A_259] {strides = array<i32>} : memref<128xf32, #tpu.memory_space<vmem>>, vector<16xf32>,
    %swap3A_261 = vector.shape_cast %swap3A_260 : vector<16xf32> to vector<16xf32>
    %swap3A_262 = vector.shape_cast %broadcast_in_dim3A_258 : vector<16xf32> to vector<16xf32>
    tpu.vector_store %arg5[%swap3A_259], %swap3A_262 {strides = array<i32>} : memref<128xf32, #tpu.memory_space<vmem>>, vector<16xf32>,
    %broadcast_in_dim3A_263 = arith.constant 1.000000e+00 : f32
    %broadcast_in_dim3A_264 = vector.broadcast %broadcast_in_dim3A_263 : f32 to vector<16xf32>
    %swap3A_265 = arith.constant 64 : index
    %swap3A_266 = tpu.vector_load %arg5[%swap3A_265] {strides = array<i32>} : memref<128xf32, #tpu.memory_space<vmem>>, vector<16xf32>,
    %swap3A_267 = vector.shape_cast %swap3A_266 : vector<16xf32> to vector<16xf32>
    %swap3A_268 = vector.shape_cast %broadcast_in_dim3A_264 : vector<16xf32> to vector<16xf32>
    tpu.vector_store %arg5[%swap3A_265], %swap3A_268 {strides = array<i32>} : memref<128xf32, #tpu.memory_space<vmem>>, vector<16xf32>,
    %broadcast_in_dim3A_269 = arith.constant 1.000000e+00 : f32
    %broadcast_in_dim3A_270 = vector.broadcast %broadcast_in_dim3A_269 : f32 to vector<16xf32>
    %swap3A_271 = arith.constant 80 : index
    %swap3A_272 = tpu.vector_load %arg5[%swap3A_271] {strides = array<i32>} : memref<128xf32, #tpu.memory_space<vmem>>, vector<16xf32>,
    %swap3A_273 = vector.shape_cast %swap3A_272 : vector<16xf32> to vector<16xf32>
    %swap3A_274 = vector.shape_cast %broadcast_in_dim3A_270 : vector<16xf32> to vector<16xf32>
    tpu.vector_store %arg5[%swap3A_271], %swap3A_274 {strides = array<i32>} : memref<128xf32, #tpu.memory_space<vmem>>, vector<16xf32>,
    %broadcast_in_dim3A_275 = arith.constant 1.000000e+00 : f32
    %broadcast_in_dim3A_276 = vector.broadcast %broadcast_in_dim3A_275 : f32 to vector<16xf32>
    %swap3A_277 = arith.constant 96 : index
    %swap3A_278 = tpu.vector_load %arg5[%swap3A_277] {strides = array<i32>} : memref<128xf32, #tpu.memory_space<vmem>>, vector<16xf32>,
    %swap3A_279 = vector.shape_cast %swap3A_278 : vector<16xf32> to vector<16xf32>
    %swap3A_280 = vector.shape_cast %broadcast_in_dim3A_276 : vector<16xf32> to vector<16xf32>
    tpu.vector_store %arg5[%swap3A_277], %swap3A_280 {strides = array<i32>} : memref<128xf32, #tpu.memory_space<vmem>>, vector<16xf32>,
    %broadcast_in_dim3A_281 = arith.constant 1.000000e+00 : f32
    %broadcast_in_dim3A_282 = vector.broadcast %broadcast_in_dim3A_281 : f32 to vector<16xf32>
    %swap3A_283 = arith.constant 112 : index
    %swap3A_284 = tpu.vector_load %arg5[%swap3A_283] {strides = array<i32>} : memref<128xf32, #tpu.memory_space<vmem>>, vector<16xf32>,
    %swap3A_285 = vector.shape_cast %swap3A_284 : vector<16xf32> to vector<16xf32>
    %swap3A_286 = vector.shape_cast %broadcast_in_dim3A_282 : vector<16xf32> to vector<16xf32>
    tpu.vector_store %arg5[%swap3A_283], %swap3A_286 {strides = array<i32>} : memref<128xf32, #tpu.memory_space<vmem>>, vector<16xf32>,
    %mul3A_287 = arith.constant 640 : i32
    %mul3A_288 = arith.muli %arg1, %mul3A_287 : i32
    "tpu.region"() ({
      %run_scoped3A = tpu.sem_alloc : memref<!tpu.dma_semaphore, #tpu.memory_space<semaphore_mem>>
      %dma_start3A = tpu.memref_slice %arg7[%mul3A_288] : memref<10240xf32, #tpu.memory_space<vmem_shared>> -> memref<640xf32, #tpu.memory_space<vmem_shared>>
      %dma_start3A_302 = tpu.memref_slice %arg7[%mul3A_288] : memref<10240xf32, #tpu.memory_space<vmem_shared>> -> memref<640xf32, #tpu.memory_space<vmem_shared>>
      tpu.enqueue_dma source(%arg6 : memref<640xf32, #tpu.memory_space<vmem>>) target(%dma_start3A_302 : memref<640xf32, #tpu.memory_space<vmem_shared>>) target_semaphore(%run_scoped3A : memref<!tpu.dma_semaphore, #tpu.memory_space<semaphore_mem>>)
      %dma_wait3A = tpu.memref_slice %arg7[%mul3A_288] : memref<10240xf32, #tpu.memory_space<vmem_shared>> -> memref<640xf32, #tpu.memory_space<vmem_shared>>
      %dma_wait3A_303 = tpu.memref_slice %arg7[%mul3A_288] : memref<10240xf32, #tpu.memory_space<vmem_shared>> -> memref<640xf32, #tpu.memory_space<vmem_shared>>
      tpu.wait_dma2 semaphore(%run_scoped3A : memref<!tpu.dma_semaphore, #tpu.memory_space<semaphore_mem>>) src(%arg6 : memref<640xf32, #tpu.memory_space<vmem>>) dst(%dma_wait3A_303 : memref<640xf32, #tpu.memory_space<vmem_shared>>)
      tpu.yield
    }) : () -> ()
    %barrier3A = arith.constant 0 : index
    tpu.barrier barrier_id(%barrier3A)
    "tpu.region"() ({
      %run_scoped3A = tpu.sem_alloc : memref<!tpu.dma_semaphore, #tpu.memory_space<semaphore_mem>>
      %dma_start3A = arith.constant 0 : i32
      %dma_start3A_302 = arith.constant 0 : i32
      %dma_start3A_303 = tpu.memref_slice %arg2[%add3A, %dma_start3A, %dma_start3A_302] : memref<32x79x128xi32, #tpu.memory_space<hbm>> -> memref<1x79x128xi32, #tpu.memory_space<hbm>>
      %dma_start3A_304 = tpu.memref_squeeze %dma_start3A_303 : memref<1x79x128xi32, #tpu.memory_space<hbm>> -> memref<79x128xi32, #tpu.memory_space<hbm>>
      %dma_start3A_305 = arith.constant 0 : i32
      %dma_start3A_306 = arith.constant 0 : i32
      %dma_start3A_307 = tpu.memref_slice %arg2[%add3A, %dma_start3A_305, %dma_start3A_306] : memref<32x79x128xi32, #tpu.memory_space<hbm>> -> memref<1x79x128xi32, #tpu.memory_space<hbm>>
      %dma_start3A_308 = tpu.memref_squeeze %dma_start3A_307 : memref<1x79x128xi32, #tpu.memory_space<hbm>> -> memref<79x128xi32, #tpu.memory_space<hbm>>
      tpu.enqueue_dma source(%dma_start3A_308 : memref<79x128xi32, #tpu.memory_space<hbm>>) target(%arg4 : memref<79x128xi32, #tpu.memory_space<vmem>>) target_semaphore(%run_scoped3A : memref<!tpu.dma_semaphore, #tpu.memory_space<semaphore_mem>>)
      %dma_wait3A = arith.constant 0 : i32
      %dma_wait3A_309 = arith.constant 0 : i32
      %dma_wait3A_310 = tpu.memref_slice %arg2[%add3A, %dma_wait3A, %dma_wait3A_309] : memref<32x79x128xi32, #tpu.memory_space<hbm>> -> memref<1x79x128xi32, #tpu.memory_space<hbm>>
      %dma_wait3A_311 = tpu.memref_squeeze %dma_wait3A_310 : memref<1x79x128xi32, #tpu.memory_space<hbm>> -> memref<79x128xi32, #tpu.memory_space<hbm>>
      %dma_wait3A_312 = arith.constant 0 : i32
      %dma_wait3A_313 = arith.constant 0 : i32
      %dma_wait3A_314 = tpu.memref_slice %arg2[%add3A, %dma_wait3A_312, %dma_wait3A_313] : memref<32x79x128xi32, #tpu.memory_space<hbm>> -> memref<1x79x128xi32, #tpu.memory_space<hbm>>
      %dma_wait3A_315 = tpu.memref_squeeze %dma_wait3A_314 : memref<1x79x128xi32, #tpu.memory_space<hbm>> -> memref<79x128xi32, #tpu.memory_space<hbm>>
      tpu.wait_dma2 semaphore(%run_scoped3A : memref<!tpu.dma_semaphore, #tpu.memory_space<semaphore_mem>>) src(%dma_wait3A_315 : memref<79x128xi32, #tpu.memory_space<hbm>>) dst(%arg4 : memref<79x128xi32, #tpu.memory_space<vmem>>)
      tpu.yield
    }) : () -> ()
    %scan3A = arith.constant 0 : i32
    %scan3A_289 = arith.constant 0 : i32
    %scan3A_290 = arith.constant 79 : i32
    %scan3A_291 = arith.addi %scan3A_289, %scan3A_290 : i32
    %scan3A_292 = arith.constant 1 : i32
    scf.for %scan3A_302 = %scan3A_289 to %scan3A_291 step %scan3A_292  : i32 {
      "tpu.region"() ({
        %run_scoped3A = tpu.sem_alloc : memref<!tpu.dma_semaphore, #tpu.memory_space<semaphore_mem>>
        %dma_start3A = arith.constant 0 : i32
        %dma_start3A_303 = tpu.memref_slice %arg4[%scan3A_302, %dma_start3A] : memref<79x128xi32, #tpu.memory_space<vmem>> -> memref<1x128xi32, #tpu.memory_space<vmem>>
        %dma_start3A_304 = tpu.memref_squeeze %dma_start3A_303 : memref<1x128xi32, #tpu.memory_space<vmem>> -> memref<128xi32, #tpu.memory_space<vmem>>
        %dma_start3A_305 = arith.constant 0 : i32
        %dma_start3A_306 = tpu.memref_slice %arg7[%dma_start3A_305] : memref<10240xf32, #tpu.memory_space<vmem_shared>> -> memref<10240xf32, #tpu.memory_space<vmem_shared>>
        tpu.enqueue_indirect_dma source(%arg5 : memref<128xf32, #tpu.memory_space<vmem>>) target(%dma_start3A_306 : memref<10240xf32, #tpu.memory_space<vmem_shared>>) offsets(%dma_start3A_304 : memref<128xi32, #tpu.memory_space<vmem>>) semaphore(%run_scoped3A : memref<!tpu.dma_semaphore, #tpu.memory_space<semaphore_mem>>) {add = true}
        %dma_wait3A = arith.constant 0 : i32
        %dma_wait3A_307 = tpu.memref_slice %arg4[%scan3A_302, %dma_wait3A] : memref<79x128xi32, #tpu.memory_space<vmem>> -> memref<1x128xi32, #tpu.memory_space<vmem>>
        %dma_wait3A_308 = tpu.memref_squeeze %dma_wait3A_307 : memref<1x128xi32, #tpu.memory_space<vmem>> -> memref<128xi32, #tpu.memory_space<vmem>>
        %dma_wait3A_309 = arith.constant 0 : i32
        %dma_wait3A_310 = tpu.memref_slice %arg7[%dma_wait3A_309] : memref<10240xf32, #tpu.memory_space<vmem_shared>> -> memref<10240xf32, #tpu.memory_space<vmem_shared>>
        tpu.wait_indirect_dma semaphore(%run_scoped3A : memref<!tpu.dma_semaphore, #tpu.memory_space<semaphore_mem>>) src(%arg5 : memref<128xf32, #tpu.memory_space<vmem>>) dst(%dma_wait3A_310 : memref<10240xf32, #tpu.memory_space<vmem_shared>>)
        tpu.yield
      }) : () -> ()
    }
    %scan3A_293 = arith.constant 79 : i32
    %barrier3A_294 = arith.constant 0 : index
    tpu.barrier barrier_id(%barrier3A_294)
    %mul3A_295 = arith.constant 640 : i32
    %mul3A_296 = arith.muli %arg1, %mul3A_295 : i32
    %mul3A_297 = arith.constant 10240 : i32
    %mul3A_298 = arith.muli %arg0, %mul3A_297 : i32
    %mul3A_299 = arith.constant 640 : i32
    %mul3A_300 = arith.muli %arg1, %mul3A_299 : i32
    %add3A_301 = arith.addi %mul3A_298, %mul3A_300 : i32
    "tpu.region"() ({
      %run_scoped3A = tpu.sem_alloc : memref<!tpu.dma_semaphore, #tpu.memory_space<semaphore_mem>>
      %dma_start3A = tpu.memref_slice %arg3[%add3A_301] : memref<20480xf32, #tpu.memory_space<hbm>> -> memref<640xf32, #tpu.memory_space<hbm>>
      %dma_start3A_302 = tpu.memref_slice %arg7[%mul3A_296] : memref<10240xf32, #tpu.memory_space<vmem_shared>> -> memref<640xf32, #tpu.memory_space<vmem_shared>>
      tpu.enqueue_dma source(%dma_start3A_302 : memref<640xf32, #tpu.memory_space<vmem_shared>>) target(%dma_start3A : memref<640xf32, #tpu.memory_space<hbm>>) target_semaphore(%run_scoped3A : memref<!tpu.dma_semaphore, #tpu.memory_space<semaphore_mem>>)
      %dma_wait3A = tpu.memref_slice %arg3[%add3A_301] : memref<20480xf32, #tpu.memory_space<hbm>> -> memref<640xf32, #tpu.memory_space<hbm>>
      %dma_wait3A_303 = tpu.memref_slice %arg7[%mul3A_296] : memref<10240xf32, #tpu.memory_space<vmem_shared>> -> memref<640xf32, #tpu.memory_space<vmem_shared>>
      tpu.wait_dma2 semaphore(%run_scoped3A : memref<!tpu.dma_semaphore, #tpu.memory_space<semaphore_mem>>) src(%dma_wait3A_303 : memref<640xf32, #tpu.memory_space<vmem_shared>>) dst(%dma_wait3A : memref<640xf32, #tpu.memory_space<hbm>>)
      tpu.yield
    }) : () -> ()
    return
  }
}

#map = affine_map<(d0, d1) -> (0, 0)>
#map1 = affine_map<(d0, d1) -> (0, 0, 0)>
module attributes {stable_mosaic.version = 14 : i64} {
  func.func @_sc_edge(%arg0: i32, %arg1: i32, %arg2: memref<10240x128xf32, #tpu.memory_space<hbm>>, %arg3: memref<32x79x128xi32, #tpu.memory_space<hbm>>, %arg4: memref<32x79x128xi32, #tpu.memory_space<hbm>>, %arg5: memref<2x10240x128xf32, #tpu.memory_space<hbm>>, %arg6: memref<79x128xi32, #tpu.memory_space<vmem>>, %arg7: memref<79x128xi32, #tpu.memory_space<vmem>>, %arg8: memref<128x128xf32, #tpu.memory_space<vmem>>, %arg9: memref<10240x128xf32, #tpu.memory_space<vmem_shared>>, %arg10: memref<!tpu.dma_semaphore, #tpu.memory_space<semaphore_mem>>) attributes {dimension_semantics = [#tpu.dimension_semantics<core_parallel>, #tpu.dimension_semantics<subcore_parallel>], iteration_bounds = array<i64: 2, 16>, scalar_prefetch = 0 : i64, scratch_operands = 5 : i64, tpu.core_type = #tpu.core_type<sc_vector_subcore>, window_params = [{transform_indices = #map}, {transform_indices = #map1}, {transform_indices = #map1}, {transform_indices = #map1}]} {
    %mul3A = arith.constant 16 : i32
    %mul3A_0 = arith.muli %arg0, %mul3A : i32
    %add3A = arith.addi %mul3A_0, %arg1 : i32
    %scan3A = arith.constant 0 : i32
    %scan3A_1 = arith.constant 0 : i32
    %scan3A_2 = arith.constant 128 : i32
    %scan3A_3 = arith.addi %scan3A_1, %scan3A_2 : i32
    %scan3A_4 = arith.constant 1 : i32
    scf.for %scan3A_37 = %scan3A_1 to %scan3A_3 step %scan3A_4  : i32 {
      %broadcast_in_dim3A = arith.constant 0.000000e+00 : f32
      %broadcast_in_dim3A_38 = vector.broadcast %broadcast_in_dim3A : f32 to vector<16xf32>
      %swap3A = arith.index_cast %scan3A_37 : i32 to index
      %swap3A_39 = arith.constant 0 : index
      %swap3A_40 = tpu.vector_load %arg8[%swap3A, %swap3A_39] {strides = array<i32>} : memref<128x128xf32, #tpu.memory_space<vmem>>, vector<1x16xf32>,
      %swap3A_41 = vector.shape_cast %swap3A_40 : vector<1x16xf32> to vector<16xf32>
      %swap3A_42 = vector.shape_cast %broadcast_in_dim3A_38 : vector<16xf32> to vector<1x16xf32>
      tpu.vector_store %arg8[%swap3A, %swap3A_39], %swap3A_42 {strides = array<i32>} : memref<128x128xf32, #tpu.memory_space<vmem>>, vector<1x16xf32>,
      %broadcast_in_dim3A_43 = arith.constant 0.000000e+00 : f32
      %broadcast_in_dim3A_44 = vector.broadcast %broadcast_in_dim3A_43 : f32 to vector<16xf32>
      %swap3A_45 = arith.index_cast %scan3A_37 : i32 to index
      %swap3A_46 = arith.constant 16 : index
      %swap3A_47 = tpu.vector_load %arg8[%swap3A_45, %swap3A_46] {strides = array<i32>} : memref<128x128xf32, #tpu.memory_space<vmem>>, vector<1x16xf32>,
      %swap3A_48 = vector.shape_cast %swap3A_47 : vector<1x16xf32> to vector<16xf32>
      %swap3A_49 = vector.shape_cast %broadcast_in_dim3A_44 : vector<16xf32> to vector<1x16xf32>
      tpu.vector_store %arg8[%swap3A_45, %swap3A_46], %swap3A_49 {strides = array<i32>} : memref<128x128xf32, #tpu.memory_space<vmem>>, vector<1x16xf32>,
      %broadcast_in_dim3A_50 = arith.constant 0.000000e+00 : f32
      %broadcast_in_dim3A_51 = vector.broadcast %broadcast_in_dim3A_50 : f32 to vector<16xf32>
      %swap3A_52 = arith.index_cast %scan3A_37 : i32 to index
      %swap3A_53 = arith.constant 32 : index
      %swap3A_54 = tpu.vector_load %arg8[%swap3A_52, %swap3A_53] {strides = array<i32>} : memref<128x128xf32, #tpu.memory_space<vmem>>, vector<1x16xf32>,
      %swap3A_55 = vector.shape_cast %swap3A_54 : vector<1x16xf32> to vector<16xf32>
      %swap3A_56 = vector.shape_cast %broadcast_in_dim3A_51 : vector<16xf32> to vector<1x16xf32>
      tpu.vector_store %arg8[%swap3A_52, %swap3A_53], %swap3A_56 {strides = array<i32>} : memref<128x128xf32, #tpu.memory_space<vmem>>, vector<1x16xf32>,
      %broadcast_in_dim3A_57 = arith.constant 0.000000e+00 : f32
      %broadcast_in_dim3A_58 = vector.broadcast %broadcast_in_dim3A_57 : f32 to vector<16xf32>
      %swap3A_59 = arith.index_cast %scan3A_37 : i32 to index
      %swap3A_60 = arith.constant 48 : index
      %swap3A_61 = tpu.vector_load %arg8[%swap3A_59, %swap3A_60] {strides = array<i32>} : memref<128x128xf32, #tpu.memory_space<vmem>>, vector<1x16xf32>,
      %swap3A_62 = vector.shape_cast %swap3A_61 : vector<1x16xf32> to vector<16xf32>
      %swap3A_63 = vector.shape_cast %broadcast_in_dim3A_58 : vector<16xf32> to vector<1x16xf32>
      tpu.vector_store %arg8[%swap3A_59, %swap3A_60], %swap3A_63 {strides = array<i32>} : memref<128x128xf32, #tpu.memory_space<vmem>>, vector<1x16xf32>,
      %broadcast_in_dim3A_64 = arith.constant 0.000000e+00 : f32
      %broadcast_in_dim3A_65 = vector.broadcast %broadcast_in_dim3A_64 : f32 to vector<16xf32>
      %swap3A_66 = arith.index_cast %scan3A_37 : i32 to index
      %swap3A_67 = arith.constant 64 : index
      %swap3A_68 = tpu.vector_load %arg8[%swap3A_66, %swap3A_67] {strides = array<i32>} : memref<128x128xf32, #tpu.memory_space<vmem>>, vector<1x16xf32>,
      %swap3A_69 = vector.shape_cast %swap3A_68 : vector<1x16xf32> to vector<16xf32>
      %swap3A_70 = vector.shape_cast %broadcast_in_dim3A_65 : vector<16xf32> to vector<1x16xf32>
      tpu.vector_store %arg8[%swap3A_66, %swap3A_67], %swap3A_70 {strides = array<i32>} : memref<128x128xf32, #tpu.memory_space<vmem>>, vector<1x16xf32>,
      %broadcast_in_dim3A_71 = arith.constant 0.000000e+00 : f32
      %broadcast_in_dim3A_72 = vector.broadcast %broadcast_in_dim3A_71 : f32 to vector<16xf32>
      %swap3A_73 = arith.index_cast %scan3A_37 : i32 to index
      %swap3A_74 = arith.constant 80 : index
      %swap3A_75 = tpu.vector_load %arg8[%swap3A_73, %swap3A_74] {strides = array<i32>} : memref<128x128xf32, #tpu.memory_space<vmem>>, vector<1x16xf32>,
      %swap3A_76 = vector.shape_cast %swap3A_75 : vector<1x16xf32> to vector<16xf32>
      %swap3A_77 = vector.shape_cast %broadcast_in_dim3A_72 : vector<16xf32> to vector<1x16xf32>
      tpu.vector_store %arg8[%swap3A_73, %swap3A_74], %swap3A_77 {strides = array<i32>} : memref<128x128xf32, #tpu.memory_space<vmem>>, vector<1x16xf32>,
      %broadcast_in_dim3A_78 = arith.constant 0.000000e+00 : f32
      %broadcast_in_dim3A_79 = vector.broadcast %broadcast_in_dim3A_78 : f32 to vector<16xf32>
      %swap3A_80 = arith.index_cast %scan3A_37 : i32 to index
      %swap3A_81 = arith.constant 96 : index
      %swap3A_82 = tpu.vector_load %arg8[%swap3A_80, %swap3A_81] {strides = array<i32>} : memref<128x128xf32, #tpu.memory_space<vmem>>, vector<1x16xf32>,
      %swap3A_83 = vector.shape_cast %swap3A_82 : vector<1x16xf32> to vector<16xf32>
      %swap3A_84 = vector.shape_cast %broadcast_in_dim3A_79 : vector<16xf32> to vector<1x16xf32>
      tpu.vector_store %arg8[%swap3A_80, %swap3A_81], %swap3A_84 {strides = array<i32>} : memref<128x128xf32, #tpu.memory_space<vmem>>, vector<1x16xf32>,
      %broadcast_in_dim3A_85 = arith.constant 0.000000e+00 : f32
      %broadcast_in_dim3A_86 = vector.broadcast %broadcast_in_dim3A_85 : f32 to vector<16xf32>
      %swap3A_87 = arith.index_cast %scan3A_37 : i32 to index
      %swap3A_88 = arith.constant 112 : index
      %swap3A_89 = tpu.vector_load %arg8[%swap3A_87, %swap3A_88] {strides = array<i32>} : memref<128x128xf32, #tpu.memory_space<vmem>>, vector<1x16xf32>,
      %swap3A_90 = vector.shape_cast %swap3A_89 : vector<1x16xf32> to vector<16xf32>
      %swap3A_91 = vector.shape_cast %broadcast_in_dim3A_86 : vector<16xf32> to vector<1x16xf32>
      tpu.vector_store %arg8[%swap3A_87, %swap3A_88], %swap3A_91 {strides = array<i32>} : memref<128x128xf32, #tpu.memory_space<vmem>>, vector<1x16xf32>,
    }
    %scan3A_5 = arith.constant 128 : i32
    %mul3A_6 = arith.constant 640 : i32
    %mul3A_7 = arith.muli %arg1, %mul3A_6 : i32
    %add3A_8 = arith.constant 0 : i32
    %add3A_9 = arith.addi %mul3A_7, %add3A_8 : i32
    "tpu.region"() ({
      %run_scoped3A = tpu.sem_alloc : memref<!tpu.dma_semaphore, #tpu.memory_space<semaphore_mem>>
      %dma_start3A = arith.constant 0 : i32
      %dma_start3A_37 = tpu.memref_slice %arg9[%add3A_9, %dma_start3A] : memref<10240x128xf32, #tpu.memory_space<vmem_shared>> -> memref<128x128xf32, #tpu.memory_space<vmem_shared>>
      %dma_start3A_38 = arith.constant 0 : i32
      %dma_start3A_39 = tpu.memref_slice %arg9[%add3A_9, %dma_start3A_38] : memref<10240x128xf32, #tpu.memory_space<vmem_shared>> -> memref<128x128xf32, #tpu.memory_space<vmem_shared>>
      tpu.enqueue_dma source(%arg8 : memref<128x128xf32, #tpu.memory_space<vmem>>) target(%dma_start3A_39 : memref<128x128xf32, #tpu.memory_space<vmem_shared>>) target_semaphore(%run_scoped3A : memref<!tpu.dma_semaphore, #tpu.memory_space<semaphore_mem>>)
      %dma_wait3A = arith.constant 0 : i32
      %dma_wait3A_40 = tpu.memref_slice %arg9[%add3A_9, %dma_wait3A] : memref<10240x128xf32, #tpu.memory_space<vmem_shared>> -> memref<128x128xf32, #tpu.memory_space<vmem_shared>>
      %dma_wait3A_41 = arith.constant 0 : i32
      %dma_wait3A_42 = tpu.memref_slice %arg9[%add3A_9, %dma_wait3A_41] : memref<10240x128xf32, #tpu.memory_space<vmem_shared>> -> memref<128x128xf32, #tpu.memory_space<vmem_shared>>
      tpu.wait_dma2 semaphore(%run_scoped3A : memref<!tpu.dma_semaphore, #tpu.memory_space<semaphore_mem>>) src(%arg8 : memref<128x128xf32, #tpu.memory_space<vmem>>) dst(%dma_wait3A_42 : memref<128x128xf32, #tpu.memory_space<vmem_shared>>)
      tpu.yield
    }) : () -> ()
    %mul3A_10 = arith.constant 640 : i32
    %mul3A_11 = arith.muli %arg1, %mul3A_10 : i32
    %add3A_12 = arith.constant 128 : i32
    %add3A_13 = arith.addi %mul3A_11, %add3A_12 : i32
    "tpu.region"() ({
      %run_scoped3A = tpu.sem_alloc : memref<!tpu.dma_semaphore, #tpu.memory_space<semaphore_mem>>
      %dma_start3A = arith.constant 0 : i32
      %dma_start3A_37 = tpu.memref_slice %arg9[%add3A_13, %dma_start3A] : memref<10240x128xf32, #tpu.memory_space<vmem_shared>> -> memref<128x128xf32, #tpu.memory_space<vmem_shared>>
      %dma_start3A_38 = arith.constant 0 : i32
      %dma_start3A_39 = tpu.memref_slice %arg9[%add3A_13, %dma_start3A_38] : memref<10240x128xf32, #tpu.memory_space<vmem_shared>> -> memref<128x128xf32, #tpu.memory_space<vmem_shared>>
      tpu.enqueue_dma source(%arg8 : memref<128x128xf32, #tpu.memory_space<vmem>>) target(%dma_start3A_39 : memref<128x128xf32, #tpu.memory_space<vmem_shared>>) target_semaphore(%run_scoped3A : memref<!tpu.dma_semaphore, #tpu.memory_space<semaphore_mem>>)
      %dma_wait3A = arith.constant 0 : i32
      %dma_wait3A_40 = tpu.memref_slice %arg9[%add3A_13, %dma_wait3A] : memref<10240x128xf32, #tpu.memory_space<vmem_shared>> -> memref<128x128xf32, #tpu.memory_space<vmem_shared>>
      %dma_wait3A_41 = arith.constant 0 : i32
      %dma_wait3A_42 = tpu.memref_slice %arg9[%add3A_13, %dma_wait3A_41] : memref<10240x128xf32, #tpu.memory_space<vmem_shared>> -> memref<128x128xf32, #tpu.memory_space<vmem_shared>>
      tpu.wait_dma2 semaphore(%run_scoped3A : memref<!tpu.dma_semaphore, #tpu.memory_space<semaphore_mem>>) src(%arg8 : memref<128x128xf32, #tpu.memory_space<vmem>>) dst(%dma_wait3A_42 : memref<128x128xf32, #tpu.memory_space<vmem_shared>>)
      tpu.yield
    }) : () -> ()
    %mul3A_14 = arith.constant 640 : i32
    %mul3A_15 = arith.muli %arg1, %mul3A_14 : i32
    %add3A_16 = arith.constant 256 : i32
    %add3A_17 = arith.addi %mul3A_15, %add3A_16 : i32
    "tpu.region"() ({
      %run_scoped3A = tpu.sem_alloc : memref<!tpu.dma_semaphore, #tpu.memory_space<semaphore_mem>>
      %dma_start3A = arith.constant 0 : i32
      %dma_start3A_37 = tpu.memref_slice %arg9[%add3A_17, %dma_start3A] : memref<10240x128xf32, #tpu.memory_space<vmem_shared>> -> memref<128x128xf32, #tpu.memory_space<vmem_shared>>
      %dma_start3A_38 = arith.constant 0 : i32
      %dma_start3A_39 = tpu.memref_slice %arg9[%add3A_17, %dma_start3A_38] : memref<10240x128xf32, #tpu.memory_space<vmem_shared>> -> memref<128x128xf32, #tpu.memory_space<vmem_shared>>
      tpu.enqueue_dma source(%arg8 : memref<128x128xf32, #tpu.memory_space<vmem>>) target(%dma_start3A_39 : memref<128x128xf32, #tpu.memory_space<vmem_shared>>) target_semaphore(%run_scoped3A : memref<!tpu.dma_semaphore, #tpu.memory_space<semaphore_mem>>)
      %dma_wait3A = arith.constant 0 : i32
      %dma_wait3A_40 = tpu.memref_slice %arg9[%add3A_17, %dma_wait3A] : memref<10240x128xf32, #tpu.memory_space<vmem_shared>> -> memref<128x128xf32, #tpu.memory_space<vmem_shared>>
      %dma_wait3A_41 = arith.constant 0 : i32
      %dma_wait3A_42 = tpu.memref_slice %arg9[%add3A_17, %dma_wait3A_41] : memref<10240x128xf32, #tpu.memory_space<vmem_shared>> -> memref<128x128xf32, #tpu.memory_space<vmem_shared>>
      tpu.wait_dma2 semaphore(%run_scoped3A : memref<!tpu.dma_semaphore, #tpu.memory_space<semaphore_mem>>) src(%arg8 : memref<128x128xf32, #tpu.memory_space<vmem>>) dst(%dma_wait3A_42 : memref<128x128xf32, #tpu.memory_space<vmem_shared>>)
      tpu.yield
    }) : () -> ()
    %mul3A_18 = arith.constant 640 : i32
    %mul3A_19 = arith.muli %arg1, %mul3A_18 : i32
    %add3A_20 = arith.constant 384 : i32
    %add3A_21 = arith.addi %mul3A_19, %add3A_20 : i32
    "tpu.region"() ({
      %run_scoped3A = tpu.sem_alloc : memref<!tpu.dma_semaphore, #tpu.memory_space<semaphore_mem>>
      %dma_start3A = arith.constant 0 : i32
      %dma_start3A_37 = tpu.memref_slice %arg9[%add3A_21, %dma_start3A] : memref<10240x128xf32, #tpu.memory_space<vmem_shared>> -> memref<128x128xf32, #tpu.memory_space<vmem_shared>>
      %dma_start3A_38 = arith.constant 0 : i32
      %dma_start3A_39 = tpu.memref_slice %arg9[%add3A_21, %dma_start3A_38] : memref<10240x128xf32, #tpu.memory_space<vmem_shared>> -> memref<128x128xf32, #tpu.memory_space<vmem_shared>>
      tpu.enqueue_dma source(%arg8 : memref<128x128xf32, #tpu.memory_space<vmem>>) target(%dma_start3A_39 : memref<128x128xf32, #tpu.memory_space<vmem_shared>>) target_semaphore(%run_scoped3A : memref<!tpu.dma_semaphore, #tpu.memory_space<semaphore_mem>>)
      %dma_wait3A = arith.constant 0 : i32
      %dma_wait3A_40 = tpu.memref_slice %arg9[%add3A_21, %dma_wait3A] : memref<10240x128xf32, #tpu.memory_space<vmem_shared>> -> memref<128x128xf32, #tpu.memory_space<vmem_shared>>
      %dma_wait3A_41 = arith.constant 0 : i32
      %dma_wait3A_42 = tpu.memref_slice %arg9[%add3A_21, %dma_wait3A_41] : memref<10240x128xf32, #tpu.memory_space<vmem_shared>> -> memref<128x128xf32, #tpu.memory_space<vmem_shared>>
      tpu.wait_dma2 semaphore(%run_scoped3A : memref<!tpu.dma_semaphore, #tpu.memory_space<semaphore_mem>>) src(%arg8 : memref<128x128xf32, #tpu.memory_space<vmem>>) dst(%dma_wait3A_42 : memref<128x128xf32, #tpu.memory_space<vmem_shared>>)
      tpu.yield
    }) : () -> ()
    %mul3A_22 = arith.constant 640 : i32
    %mul3A_23 = arith.muli %arg1, %mul3A_22 : i32
    %add3A_24 = arith.constant 512 : i32
    %add3A_25 = arith.addi %mul3A_23, %add3A_24 : i32
    "tpu.region"() ({
      %run_scoped3A = tpu.sem_alloc : memref<!tpu.dma_semaphore, #tpu.memory_space<semaphore_mem>>
      %dma_start3A = arith.constant 0 : i32
      %dma_start3A_37 = tpu.memref_slice %arg9[%add3A_25, %dma_start3A] : memref<10240x128xf32, #tpu.memory_space<vmem_shared>> -> memref<128x128xf32, #tpu.memory_space<vmem_shared>>
      %dma_start3A_38 = arith.constant 0 : i32
      %dma_start3A_39 = tpu.memref_slice %arg9[%add3A_25, %dma_start3A_38] : memref<10240x128xf32, #tpu.memory_space<vmem_shared>> -> memref<128x128xf32, #tpu.memory_space<vmem_shared>>
      tpu.enqueue_dma source(%arg8 : memref<128x128xf32, #tpu.memory_space<vmem>>) target(%dma_start3A_39 : memref<128x128xf32, #tpu.memory_space<vmem_shared>>) target_semaphore(%run_scoped3A : memref<!tpu.dma_semaphore, #tpu.memory_space<semaphore_mem>>)
      %dma_wait3A = arith.constant 0 : i32
      %dma_wait3A_40 = tpu.memref_slice %arg9[%add3A_25, %dma_wait3A] : memref<10240x128xf32, #tpu.memory_space<vmem_shared>> -> memref<128x128xf32, #tpu.memory_space<vmem_shared>>
      %dma_wait3A_41 = arith.constant 0 : i32
      %dma_wait3A_42 = tpu.memref_slice %arg9[%add3A_25, %dma_wait3A_41] : memref<10240x128xf32, #tpu.memory_space<vmem_shared>> -> memref<128x128xf32, #tpu.memory_space<vmem_shared>>
      tpu.wait_dma2 semaphore(%run_scoped3A : memref<!tpu.dma_semaphore, #tpu.memory_space<semaphore_mem>>) src(%arg8 : memref<128x128xf32, #tpu.memory_space<vmem>>) dst(%dma_wait3A_42 : memref<128x128xf32, #tpu.memory_space<vmem_shared>>)
      tpu.yield
    }) : () -> ()
    %barrier3A = arith.constant 0 : index
    tpu.barrier barrier_id(%barrier3A)
    "tpu.region"() ({
      %run_scoped3A = tpu.sem_alloc : memref<!tpu.dma_semaphore, #tpu.memory_space<semaphore_mem>>
      %dma_start3A = arith.constant 0 : i32
      %dma_start3A_37 = arith.constant 0 : i32
      %dma_start3A_38 = tpu.memref_slice %arg3[%add3A, %dma_start3A, %dma_start3A_37] : memref<32x79x128xi32, #tpu.memory_space<hbm>> -> memref<1x79x128xi32, #tpu.memory_space<hbm>>
      %dma_start3A_39 = tpu.memref_squeeze %dma_start3A_38 : memref<1x79x128xi32, #tpu.memory_space<hbm>> -> memref<79x128xi32, #tpu.memory_space<hbm>>
      %dma_start3A_40 = arith.constant 0 : i32
      %dma_start3A_41 = arith.constant 0 : i32
      %dma_start3A_42 = tpu.memref_slice %arg3[%add3A, %dma_start3A_40, %dma_start3A_41] : memref<32x79x128xi32, #tpu.memory_space<hbm>> -> memref<1x79x128xi32, #tpu.memory_space<hbm>>
      %dma_start3A_43 = tpu.memref_squeeze %dma_start3A_42 : memref<1x79x128xi32, #tpu.memory_space<hbm>> -> memref<79x128xi32, #tpu.memory_space<hbm>>
      tpu.enqueue_dma source(%dma_start3A_43 : memref<79x128xi32, #tpu.memory_space<hbm>>) target(%arg6 : memref<79x128xi32, #tpu.memory_space<vmem>>) target_semaphore(%run_scoped3A : memref<!tpu.dma_semaphore, #tpu.memory_space<semaphore_mem>>)
      %dma_wait3A = arith.constant 0 : i32
      %dma_wait3A_44 = arith.constant 0 : i32
      %dma_wait3A_45 = tpu.memref_slice %arg3[%add3A, %dma_wait3A, %dma_wait3A_44] : memref<32x79x128xi32, #tpu.memory_space<hbm>> -> memref<1x79x128xi32, #tpu.memory_space<hbm>>
      %dma_wait3A_46 = tpu.memref_squeeze %dma_wait3A_45 : memref<1x79x128xi32, #tpu.memory_space<hbm>> -> memref<79x128xi32, #tpu.memory_space<hbm>>
      %dma_wait3A_47 = arith.constant 0 : i32
      %dma_wait3A_48 = arith.constant 0 : i32
      %dma_wait3A_49 = tpu.memref_slice %arg3[%add3A, %dma_wait3A_47, %dma_wait3A_48] : memref<32x79x128xi32, #tpu.memory_space<hbm>> -> memref<1x79x128xi32, #tpu.memory_space<hbm>>
      %dma_wait3A_50 = tpu.memref_squeeze %dma_wait3A_49 : memref<1x79x128xi32, #tpu.memory_space<hbm>> -> memref<79x128xi32, #tpu.memory_space<hbm>>
      tpu.wait_dma2 semaphore(%run_scoped3A : memref<!tpu.dma_semaphore, #tpu.memory_space<semaphore_mem>>) src(%dma_wait3A_50 : memref<79x128xi32, #tpu.memory_space<hbm>>) dst(%arg6 : memref<79x128xi32, #tpu.memory_space<vmem>>)
      tpu.yield
    }) : () -> ()
    "tpu.region"() ({
      %run_scoped3A = tpu.sem_alloc : memref<!tpu.dma_semaphore, #tpu.memory_space<semaphore_mem>>
      %dma_start3A = arith.constant 0 : i32
      %dma_start3A_37 = arith.constant 0 : i32
      %dma_start3A_38 = tpu.memref_slice %arg4[%add3A, %dma_start3A, %dma_start3A_37] : memref<32x79x128xi32, #tpu.memory_space<hbm>> -> memref<1x79x128xi32, #tpu.memory_space<hbm>>
      %dma_start3A_39 = tpu.memref_squeeze %dma_start3A_38 : memref<1x79x128xi32, #tpu.memory_space<hbm>> -> memref<79x128xi32, #tpu.memory_space<hbm>>
      %dma_start3A_40 = arith.constant 0 : i32
      %dma_start3A_41 = arith.constant 0 : i32
      %dma_start3A_42 = tpu.memref_slice %arg4[%add3A, %dma_start3A_40, %dma_start3A_41] : memref<32x79x128xi32, #tpu.memory_space<hbm>> -> memref<1x79x128xi32, #tpu.memory_space<hbm>>
      %dma_start3A_43 = tpu.memref_squeeze %dma_start3A_42 : memref<1x79x128xi32, #tpu.memory_space<hbm>> -> memref<79x128xi32, #tpu.memory_space<hbm>>
      tpu.enqueue_dma source(%dma_start3A_43 : memref<79x128xi32, #tpu.memory_space<hbm>>) target(%arg7 : memref<79x128xi32, #tpu.memory_space<vmem>>) target_semaphore(%run_scoped3A : memref<!tpu.dma_semaphore, #tpu.memory_space<semaphore_mem>>)
      %dma_wait3A = arith.constant 0 : i32
      %dma_wait3A_44 = arith.constant 0 : i32
      %dma_wait3A_45 = tpu.memref_slice %arg4[%add3A, %dma_wait3A, %dma_wait3A_44] : memref<32x79x128xi32, #tpu.memory_space<hbm>> -> memref<1x79x128xi32, #tpu.memory_space<hbm>>
      %dma_wait3A_46 = tpu.memref_squeeze %dma_wait3A_45 : memref<1x79x128xi32, #tpu.memory_space<hbm>> -> memref<79x128xi32, #tpu.memory_space<hbm>>
      %dma_wait3A_47 = arith.constant 0 : i32
      %dma_wait3A_48 = arith.constant 0 : i32
      %dma_wait3A_49 = tpu.memref_slice %arg4[%add3A, %dma_wait3A_47, %dma_wait3A_48] : memref<32x79x128xi32, #tpu.memory_space<hbm>> -> memref<1x79x128xi32, #tpu.memory_space<hbm>>
      %dma_wait3A_50 = tpu.memref_squeeze %dma_wait3A_49 : memref<1x79x128xi32, #tpu.memory_space<hbm>> -> memref<79x128xi32, #tpu.memory_space<hbm>>
      tpu.wait_dma2 semaphore(%run_scoped3A : memref<!tpu.dma_semaphore, #tpu.memory_space<semaphore_mem>>) src(%dma_wait3A_50 : memref<79x128xi32, #tpu.memory_space<hbm>>) dst(%arg7 : memref<79x128xi32, #tpu.memory_space<vmem>>)
      tpu.yield
    }) : () -> ()
    %scan3A_26 = arith.constant 0 : i32
    %scan3A_27 = arith.constant 0 : i32
    %scan3A_28 = arith.constant 79 : i32
    %scan3A_29 = arith.addi %scan3A_27, %scan3A_28 : i32
    %scan3A_30 = arith.constant 1 : i32
    scf.for %scan3A_37 = %scan3A_27 to %scan3A_29 step %scan3A_30  : i32 {
      %dma_start3A = arith.constant 0 : i32
      %dma_start3A_38 = tpu.memref_slice %arg6[%scan3A_37, %dma_start3A] : memref<79x128xi32, #tpu.memory_space<vmem>> -> memref<1x128xi32, #tpu.memory_space<vmem>>
      %dma_start3A_39 = tpu.memref_squeeze %dma_start3A_38 : memref<1x128xi32, #tpu.memory_space<vmem>> -> memref<128xi32, #tpu.memory_space<vmem>>
      %dma_start3A_40 = arith.constant 0 : i32
      %dma_start3A_41 = arith.constant 0 : i32
      %dma_start3A_42 = tpu.memref_slice %arg2[%dma_start3A_40, %dma_start3A_41] : memref<10240x128xf32, #tpu.memory_space<hbm>> -> memref<10240x128xf32, #tpu.memory_space<hbm>>
      tpu.enqueue_indirect_dma source(%dma_start3A_42 : memref<10240x128xf32, #tpu.memory_space<hbm>>) target(%arg8 : memref<128x128xf32, #tpu.memory_space<vmem>>) offsets(%dma_start3A_39 : memref<128xi32, #tpu.memory_space<vmem>>) semaphore(%arg10 : memref<!tpu.dma_semaphore, #tpu.memory_space<semaphore_mem>>)
      %dma_wait3A = arith.constant 0 : i32
      %dma_wait3A_43 = tpu.memref_slice %arg6[%scan3A_37, %dma_wait3A] : memref<79x128xi32, #tpu.memory_space<vmem>> -> memref<1x128xi32, #tpu.memory_space<vmem>>
      %dma_wait3A_44 = tpu.memref_squeeze %dma_wait3A_43 : memref<1x128xi32, #tpu.memory_space<vmem>> -> memref<128xi32, #tpu.memory_space<vmem>>
      %dma_wait3A_45 = arith.constant 0 : i32
      %dma_wait3A_46 = arith.constant 0 : i32
      %dma_wait3A_47 = tpu.memref_slice %arg2[%dma_wait3A_45, %dma_wait3A_46] : memref<10240x128xf32, #tpu.memory_space<hbm>> -> memref<10240x128xf32, #tpu.memory_space<hbm>>
      tpu.wait_indirect_dma semaphore(%arg10 : memref<!tpu.dma_semaphore, #tpu.memory_space<semaphore_mem>>) src(%dma_wait3A_47 : memref<10240x128xf32, #tpu.memory_space<hbm>>) dst(%arg8 : memref<128x128xf32, #tpu.memory_space<vmem>>)
      "tpu.region"() ({
        %run_scoped3A = tpu.sem_alloc : memref<!tpu.dma_semaphore, #tpu.memory_space<semaphore_mem>>
        %dma_start3A_48 = arith.constant 0 : i32
        %dma_start3A_49 = tpu.memref_slice %arg7[%scan3A_37, %dma_start3A_48] : memref<79x128xi32, #tpu.memory_space<vmem>> -> memref<1x128xi32, #tpu.memory_space<vmem>>
        %dma_start3A_50 = tpu.memref_squeeze %dma_start3A_49 : memref<1x128xi32, #tpu.memory_space<vmem>> -> memref<128xi32, #tpu.memory_space<vmem>>
        %dma_start3A_51 = arith.constant 0 : i32
        %dma_start3A_52 = arith.constant 0 : i32
        %dma_start3A_53 = tpu.memref_slice %arg9[%dma_start3A_51, %dma_start3A_52] : memref<10240x128xf32, #tpu.memory_space<vmem_shared>> -> memref<10240x128xf32, #tpu.memory_space<vmem_shared>>
        tpu.enqueue_indirect_dma source(%arg8 : memref<128x128xf32, #tpu.memory_space<vmem>>) target(%dma_start3A_53 : memref<10240x128xf32, #tpu.memory_space<vmem_shared>>) offsets(%dma_start3A_50 : memref<128xi32, #tpu.memory_space<vmem>>) semaphore(%run_scoped3A : memref<!tpu.dma_semaphore, #tpu.memory_space<semaphore_mem>>) {add = true}
        %dma_wait3A_54 = arith.constant 0 : i32
        %dma_wait3A_55 = tpu.memref_slice %arg7[%scan3A_37, %dma_wait3A_54] : memref<79x128xi32, #tpu.memory_space<vmem>> -> memref<1x128xi32, #tpu.memory_space<vmem>>
        %dma_wait3A_56 = tpu.memref_squeeze %dma_wait3A_55 : memref<1x128xi32, #tpu.memory_space<vmem>> -> memref<128xi32, #tpu.memory_space<vmem>>
        %dma_wait3A_57 = arith.constant 0 : i32
        %dma_wait3A_58 = arith.constant 0 : i32
        %dma_wait3A_59 = tpu.memref_slice %arg9[%dma_wait3A_57, %dma_wait3A_58] : memref<10240x128xf32, #tpu.memory_space<vmem_shared>> -> memref<10240x128xf32, #tpu.memory_space<vmem_shared>>
        tpu.wait_indirect_dma semaphore(%run_scoped3A : memref<!tpu.dma_semaphore, #tpu.memory_space<semaphore_mem>>) src(%arg8 : memref<128x128xf32, #tpu.memory_space<vmem>>) dst(%dma_wait3A_59 : memref<10240x128xf32, #tpu.memory_space<vmem_shared>>)
        tpu.yield
      }) : () -> ()
    }
    %scan3A_31 = arith.constant 79 : i32
    %barrier3A_32 = arith.constant 0 : index
    tpu.barrier barrier_id(%barrier3A_32)
    %mul3A_33 = arith.constant 640 : i32
    %mul3A_34 = arith.muli %arg1, %mul3A_33 : i32
    %mul3A_35 = arith.constant 640 : i32
    %mul3A_36 = arith.muli %arg1, %mul3A_35 : i32
    "tpu.region"() ({
      %run_scoped3A = tpu.sem_alloc : memref<!tpu.dma_semaphore, #tpu.memory_space<semaphore_mem>>
      %dma_start3A = arith.constant 0 : i32
      %dma_start3A_37 = tpu.memref_slice %arg5[%arg0, %mul3A_36, %dma_start3A] : memref<2x10240x128xf32, #tpu.memory_space<hbm>> -> memref<1x640x128xf32, #tpu.memory_space<hbm>>
      %dma_start3A_38 = tpu.memref_squeeze %dma_start3A_37 : memref<1x640x128xf32, #tpu.memory_space<hbm>> -> memref<640x128xf32, #tpu.memory_space<hbm>>
      %dma_start3A_39 = arith.constant 0 : i32
      %dma_start3A_40 = tpu.memref_slice %arg9[%mul3A_34, %dma_start3A_39] : memref<10240x128xf32, #tpu.memory_space<vmem_shared>> -> memref<640x128xf32, #tpu.memory_space<vmem_shared>>
      tpu.enqueue_dma source(%dma_start3A_40 : memref<640x128xf32, #tpu.memory_space<vmem_shared>>) target(%dma_start3A_38 : memref<640x128xf32, #tpu.memory_space<hbm>>) target_semaphore(%run_scoped3A : memref<!tpu.dma_semaphore, #tpu.memory_space<semaphore_mem>>)
      %dma_wait3A = arith.constant 0 : i32
      %dma_wait3A_41 = tpu.memref_slice %arg5[%arg0, %mul3A_36, %dma_wait3A] : memref<2x10240x128xf32, #tpu.memory_space<hbm>> -> memref<1x640x128xf32, #tpu.memory_space<hbm>>
      %dma_wait3A_42 = tpu.memref_squeeze %dma_wait3A_41 : memref<1x640x128xf32, #tpu.memory_space<hbm>> -> memref<640x128xf32, #tpu.memory_space<hbm>>
      %dma_wait3A_43 = arith.constant 0 : i32
      %dma_wait3A_44 = tpu.memref_slice %arg9[%mul3A_34, %dma_wait3A_43] : memref<10240x128xf32, #tpu.memory_space<vmem_shared>> -> memref<640x128xf32, #tpu.memory_space<vmem_shared>>
      tpu.wait_dma2 semaphore(%run_scoped3A : memref<!tpu.dma_semaphore, #tpu.memory_space<semaphore_mem>>) src(%dma_wait3A_44 : memref<640x128xf32, #tpu.memory_space<vmem_shared>>) dst(%dma_wait3A_42 : memref<640x128xf32, #tpu.memory_space<hbm>>)
      tpu.yield
    }) : () -> ()
    return
  }
}

module attributes {stable_mosaic.version = 14 : i64} {
  func.func @_tc_first_body(%arg0: i32, %arg1: memref<1024x128xf32, #tpu.memory_space<vmem>>, %arg2: memref<128x128xf32, #tpu.memory_space<vmem>>, %arg3: memref<2x1024x1xf32, #tpu.memory_space<vmem>>, %arg4: memref<1024x128xf32, #tpu.memory_space<vmem>>, %arg5: memref<1024x1xf32, #tpu.memory_space<vmem>>) attributes {dimension_semantics = [#tpu.dimension_semantics<arbitrary>], iteration_bounds = array<i64: 10>, scalar_prefetch = 0 : i64, scratch_operands = 0 : i64, tpu.core_type = #tpu.core_type<tc>, window_params = [{transform_indices = @transform_0, window_bounds = array<i64: 1024, 128>}, {pipeline_mode = #tpu.pipeline_mode<synchronous>, transform_indices = @transform_1, window_bounds = array<i64: 128, 128>}, {transform_indices = @transform_2, window_bounds = array<i64: 2, 1024, 1>}, {transform_indices = @transform_3, window_bounds = array<i64: 1024, 128>}, {transform_indices = @transform_4, window_bounds = array<i64: 1024, 1>}]} {
    %get3A = arith.constant 0 : index
    %get3A_0 = arith.constant 0 : index
    %get3A_1 = arith.constant 0 : index
    %get3A_2 = vector.load %arg3[%get3A, %get3A_0, %get3A_1] : memref<2x1024x1xf32, #tpu.memory_space<vmem>>, vector<1x1024x1xf32>
    %get3A_3 = vector.shape_cast %get3A_2 : vector<1x1024x1xf32> to vector<1024x1xf32>
    %get3A_4 = arith.constant 1 : index
    %get3A_5 = arith.constant 0 : index
    %get3A_6 = arith.constant 0 : index
    %get3A_7 = vector.load %arg3[%get3A_4, %get3A_5, %get3A_6] : memref<2x1024x1xf32, #tpu.memory_space<vmem>>, vector<1x1024x1xf32>
    %get3A_8 = vector.shape_cast %get3A_7 : vector<1x1024x1xf32> to vector<1024x1xf32>
    %add3A = arith.addf %get3A_3, %get3A_8 : vector<1024x1xf32>
    %add3A_9 = arith.constant 1.000000e+00 : f32
    %add3A_10 = vector.broadcast %add3A_9 : f32 to vector<1024x1xf32>
    %add3A_11 = arith.addf %add3A, %add3A_10 : vector<1024x1xf32>
    %rsqrt3A = math.rsqrt %add3A_11 : vector<1024x1xf32>
    %swap3A = arith.constant 0 : index
    %swap3A_12 = arith.constant 0 : index
    %swap3A_13 = vector.load %arg5[%swap3A, %swap3A_12] : memref<1024x1xf32, #tpu.memory_space<vmem>>, vector<1024x1xf32>
    tpu.vector_store %arg5[%swap3A, %swap3A_12], %rsqrt3A {strides = array<i32>} : memref<1024x1xf32, #tpu.memory_space<vmem>>, vector<1024x1xf32>,
    %get3A_14 = arith.constant 0 : index
    %get3A_15 = arith.constant 0 : index
    %get3A_16 = vector.load %arg1[%get3A_14, %get3A_15] : memref<1024x128xf32, #tpu.memory_space<vmem>>, vector<1024x128xf32>
    %get3A_17 = arith.constant 0 : index
    %get3A_18 = arith.constant 0 : index
    %get3A_19 = vector.load %arg2[%get3A_17, %get3A_18] : memref<128x128xf32, #tpu.memory_space<vmem>>, vector<128x128xf32>
    %dot_general3A = arith.constant dense<0.000000e+00> : vector<1024x128xf32>
    %dot_general3A_20 = tpu.matmul %get3A_16, %get3A_19, %dot_general3A {dimension_numbers = #tpu.dot_dimension_numbers<[1], [0], [0], [1], [0, 0, 1, 1], [], []>, transpose_lhs_hint = false} : vector<1024x128xf32>, vector<128x128xf32>, vector<1024x128xf32> -> vector<1024x128xf32>
    %mul3A = vector.broadcast %rsqrt3A : vector<1024x1xf32> to vector<1024x128xf32>
    %mul3A_21 = arith.mulf %mul3A, %dot_general3A_20 : vector<1024x128xf32>
    %swap3A_22 = arith.constant 0 : index
    %swap3A_23 = arith.constant 0 : index
    %swap3A_24 = vector.load %arg4[%swap3A_22, %swap3A_23] : memref<1024x128xf32, #tpu.memory_space<vmem>>, vector<1024x128xf32>
    tpu.vector_store %arg4[%swap3A_22, %swap3A_23], %mul3A_21 {strides = array<i32>} : memref<1024x128xf32, #tpu.memory_space<vmem>>, vector<1024x128xf32>,
    return
  }
  func.func @transform_0(%arg0: i32) -> (i32, i32) {
    %c0_i32 = arith.constant 0 : i32
    %c0_i32_0 = arith.constant 0 : i32
    return %arg0, %c0_i32 : i32, i32
  }
  func.func @transform_1(%arg0: i32) -> (i32, i32) {
    %c0_i32 = arith.constant 0 : i32
    %c0_i32_0 = arith.constant 0 : i32
    %c0_i32_1 = arith.constant 0 : i32
    return %c0_i32, %c0_i32_0 : i32, i32
  }
  func.func @transform_2(%arg0: i32) -> (i32, i32, i32) {
    %c0_i32 = arith.constant 0 : i32
    %c0_i32_0 = arith.constant 0 : i32
    %c0_i32_1 = arith.constant 0 : i32
    return %c0_i32, %arg0, %c0_i32_0 : i32, i32, i32
  }
  func.func @transform_3(%arg0: i32) -> (i32, i32) {
    %c0_i32 = arith.constant 0 : i32
    %c0_i32_0 = arith.constant 0 : i32
    return %arg0, %c0_i32 : i32, i32
  }
  func.func @transform_4(%arg0: i32) -> (i32, i32) {
    %c0_i32 = arith.constant 0 : i32
    %c0_i32_0 = arith.constant 0 : i32
    return %arg0, %c0_i32 : i32, i32
  }
}

module attributes {stable_mosaic.version = 14 : i64} {
  func.func @_tc_mid_body(%arg0: i32, %arg1: memref<2x1024x128xf32, #tpu.memory_space<vmem>>, %arg2: memref<1024x128xf32, #tpu.memory_space<vmem>>, %arg3: memref<1024x1xf32, #tpu.memory_space<vmem>>, %arg4: memref<128x128xf32, #tpu.memory_space<vmem>>, %arg5: memref<1x128xf32, #tpu.memory_space<vmem>>, %arg6: memref<1024x128xf32, #tpu.memory_space<vmem>>) attributes {dimension_semantics = [#tpu.dimension_semantics<arbitrary>], iteration_bounds = array<i64: 10>, scalar_prefetch = 0 : i64, scratch_operands = 0 : i64, tpu.core_type = #tpu.core_type<tc>, window_params = [{transform_indices = @transform_0, window_bounds = array<i64: 2, 1024, 128>}, {transform_indices = @transform_1, window_bounds = array<i64: 1024, 128>}, {transform_indices = @transform_2, window_bounds = array<i64: 1024, 1>}, {pipeline_mode = #tpu.pipeline_mode<synchronous>, transform_indices = @transform_3, window_bounds = array<i64: 128, 128>}, {pipeline_mode = #tpu.pipeline_mode<synchronous>, transform_indices = @transform_4, window_bounds = array<i64: 1, 128>}, {transform_indices = @transform_5, window_bounds = array<i64: 1024, 128>}]} {
    %get3A = arith.constant 0 : index
    %get3A_0 = arith.constant 0 : index
    %get3A_1 = arith.constant 0 : index
    %get3A_2 = vector.load %arg1[%get3A, %get3A_0, %get3A_1] : memref<2x1024x128xf32, #tpu.memory_space<vmem>>, vector<1x1024x128xf32>
    %get3A_3 = vector.shape_cast %get3A_2 : vector<1x1024x128xf32> to vector<1024x128xf32>
    %get3A_4 = arith.constant 1 : index
    %get3A_5 = arith.constant 0 : index
    %get3A_6 = arith.constant 0 : index
    %get3A_7 = vector.load %arg1[%get3A_4, %get3A_5, %get3A_6] : memref<2x1024x128xf32, #tpu.memory_space<vmem>>, vector<1x1024x128xf32>
    %get3A_8 = vector.shape_cast %get3A_7 : vector<1x1024x128xf32> to vector<1024x128xf32>
    %add3A = arith.addf %get3A_3, %get3A_8 : vector<1024x128xf32>
    %get3A_9 = arith.constant 0 : index
    %get3A_10 = arith.constant 0 : index
    %get3A_11 = vector.load %arg2[%get3A_9, %get3A_10] : memref<1024x128xf32, #tpu.memory_space<vmem>>, vector<1024x128xf32>
    %add3A_12 = arith.addf %add3A, %get3A_11 : vector<1024x128xf32>
    %get3A_13 = arith.constant 0 : index
    %get3A_14 = arith.constant 0 : index
    %get3A_15 = vector.load %arg3[%get3A_13, %get3A_14] : memref<1024x1xf32, #tpu.memory_space<vmem>>, vector<1024x1xf32>
    %mul3A = vector.broadcast %get3A_15 : vector<1024x1xf32> to vector<1024x128xf32>
    %mul3A_16 = arith.mulf %mul3A, %add3A_12 : vector<1024x128xf32>
    %get3A_17 = arith.constant 0 : index
    %get3A_18 = arith.constant 0 : index
    %get3A_19 = vector.load %arg5[%get3A_17, %get3A_18] : memref<1x128xf32, #tpu.memory_space<vmem>>, vector<1x128xf32>
    %add3A_20 = vector.broadcast %get3A_19 : vector<1x128xf32> to vector<1024x128xf32>
    %add3A_21 = arith.addf %mul3A_16, %add3A_20 : vector<1024x128xf32>
    %max3A = arith.constant 0.000000e+00 : f32
    %max3A_22 = vector.broadcast %max3A : f32 to vector<1024x128xf32>
    %max3A_23 = arith.maximumf %add3A_21, %max3A_22 : vector<1024x128xf32>
    %get3A_24 = arith.constant 0 : index
    %get3A_25 = arith.constant 0 : index
    %get3A_26 = vector.load %arg3[%get3A_24, %get3A_25] : memref<1024x1xf32, #tpu.memory_space<vmem>>, vector<1024x1xf32>
    %get3A_27 = arith.constant 0 : index
    %get3A_28 = arith.constant 0 : index
    %get3A_29 = vector.load %arg4[%get3A_27, %get3A_28] : memref<128x128xf32, #tpu.memory_space<vmem>>, vector<128x128xf32>
    %dot_general3A = arith.constant dense<0.000000e+00> : vector<1024x128xf32>
    %dot_general3A_30 = tpu.matmul %max3A_23, %get3A_29, %dot_general3A {dimension_numbers = #tpu.dot_dimension_numbers<[1], [0], [0], [1], [0, 0, 1, 1], [], []>, transpose_lhs_hint = false} : vector<1024x128xf32>, vector<128x128xf32>, vector<1024x128xf32> -> vector<1024x128xf32>
    %mul3A_31 = vector.broadcast %get3A_26 : vector<1024x1xf32> to vector<1024x128xf32>
    %mul3A_32 = arith.mulf %mul3A_31, %dot_general3A_30 : vector<1024x128xf32>
    %swap3A = arith.constant 0 : index
    %swap3A_33 = arith.constant 0 : index
    %swap3A_34 = vector.load %arg6[%swap3A, %swap3A_33] : memref<1024x128xf32, #tpu.memory_space<vmem>>, vector<1024x128xf32>
    tpu.vector_store %arg6[%swap3A, %swap3A_33], %mul3A_32 {strides = array<i32>} : memref<1024x128xf32, #tpu.memory_space<vmem>>, vector<1024x128xf32>,
    return
  }
  func.func @transform_0(%arg0: i32) -> (i32, i32, i32) {
    %c0_i32 = arith.constant 0 : i32
    %c0_i32_0 = arith.constant 0 : i32
    %c0_i32_1 = arith.constant 0 : i32
    return %c0_i32, %arg0, %c0_i32_0 : i32, i32, i32
  }
  func.func @transform_1(%arg0: i32) -> (i32, i32) {
    %c0_i32 = arith.constant 0 : i32
    %c0_i32_0 = arith.constant 0 : i32
    return %arg0, %c0_i32 : i32, i32
  }
  func.func @transform_2(%arg0: i32) -> (i32, i32) {
    %c0_i32 = arith.constant 0 : i32
    %c0_i32_0 = arith.constant 0 : i32
    return %arg0, %c0_i32 : i32, i32
  }
  func.func @transform_3(%arg0: i32) -> (i32, i32) {
    %c0_i32 = arith.constant 0 : i32
    %c0_i32_0 = arith.constant 0 : i32
    %c0_i32_1 = arith.constant 0 : i32
    return %c0_i32, %c0_i32_0 : i32, i32
  }
  func.func @transform_4(%arg0: i32) -> (i32, i32) {
    %c0_i32 = arith.constant 0 : i32
    %c0_i32_0 = arith.constant 0 : i32
    %c0_i32_1 = arith.constant 0 : i32
    return %c0_i32, %c0_i32_0 : i32, i32
  }
  func.func @transform_5(%arg0: i32) -> (i32, i32) {
    %c0_i32 = arith.constant 0 : i32
    %c0_i32_0 = arith.constant 0 : i32
    return %arg0, %c0_i32 : i32, i32
  }
}

module attributes {stable_mosaic.version = 14 : i64} {
  func.func @_tc_final_body(%arg0: i32, %arg1: memref<2x1024x128xf32, #tpu.memory_space<vmem>>, %arg2: memref<1024x128xf32, #tpu.memory_space<vmem>>, %arg3: memref<1024x1xf32, #tpu.memory_space<vmem>>, %arg4: memref<1x128xf32, #tpu.memory_space<vmem>>, %arg5: memref<1024x128xf32, #tpu.memory_space<vmem>>) attributes {dimension_semantics = [#tpu.dimension_semantics<arbitrary>], iteration_bounds = array<i64: 10>, scalar_prefetch = 0 : i64, scratch_operands = 0 : i64, tpu.core_type = #tpu.core_type<tc>, window_params = [{transform_indices = @transform_0, window_bounds = array<i64: 2, 1024, 128>}, {transform_indices = @transform_1, window_bounds = array<i64: 1024, 128>}, {transform_indices = @transform_2, window_bounds = array<i64: 1024, 1>}, {pipeline_mode = #tpu.pipeline_mode<synchronous>, transform_indices = @transform_3, window_bounds = array<i64: 1, 128>}, {transform_indices = @transform_4, window_bounds = array<i64: 1024, 128>}]} {
    %get3A = arith.constant 0 : index
    %get3A_0 = arith.constant 0 : index
    %get3A_1 = arith.constant 0 : index
    %get3A_2 = vector.load %arg1[%get3A, %get3A_0, %get3A_1] : memref<2x1024x128xf32, #tpu.memory_space<vmem>>, vector<1x1024x128xf32>
    %get3A_3 = vector.shape_cast %get3A_2 : vector<1x1024x128xf32> to vector<1024x128xf32>
    %get3A_4 = arith.constant 1 : index
    %get3A_5 = arith.constant 0 : index
    %get3A_6 = arith.constant 0 : index
    %get3A_7 = vector.load %arg1[%get3A_4, %get3A_5, %get3A_6] : memref<2x1024x128xf32, #tpu.memory_space<vmem>>, vector<1x1024x128xf32>
    %get3A_8 = vector.shape_cast %get3A_7 : vector<1x1024x128xf32> to vector<1024x128xf32>
    %add3A = arith.addf %get3A_3, %get3A_8 : vector<1024x128xf32>
    %get3A_9 = arith.constant 0 : index
    %get3A_10 = arith.constant 0 : index
    %get3A_11 = vector.load %arg2[%get3A_9, %get3A_10] : memref<1024x128xf32, #tpu.memory_space<vmem>>, vector<1024x128xf32>
    %add3A_12 = arith.addf %add3A, %get3A_11 : vector<1024x128xf32>
    %get3A_13 = arith.constant 0 : index
    %get3A_14 = arith.constant 0 : index
    %get3A_15 = vector.load %arg3[%get3A_13, %get3A_14] : memref<1024x1xf32, #tpu.memory_space<vmem>>, vector<1024x1xf32>
    %mul3A = vector.broadcast %get3A_15 : vector<1024x1xf32> to vector<1024x128xf32>
    %mul3A_16 = arith.mulf %mul3A, %add3A_12 : vector<1024x128xf32>
    %get3A_17 = arith.constant 0 : index
    %get3A_18 = arith.constant 0 : index
    %get3A_19 = vector.load %arg4[%get3A_17, %get3A_18] : memref<1x128xf32, #tpu.memory_space<vmem>>, vector<1x128xf32>
    %add3A_20 = vector.broadcast %get3A_19 : vector<1x128xf32> to vector<1024x128xf32>
    %add3A_21 = arith.addf %mul3A_16, %add3A_20 : vector<1024x128xf32>
    %swap3A = arith.constant 0 : index
    %swap3A_22 = arith.constant 0 : index
    %swap3A_23 = vector.load %arg5[%swap3A, %swap3A_22] : memref<1024x128xf32, #tpu.memory_space<vmem>>, vector<1024x128xf32>
    tpu.vector_store %arg5[%swap3A, %swap3A_22], %add3A_21 {strides = array<i32>} : memref<1024x128xf32, #tpu.memory_space<vmem>>, vector<1024x128xf32>,
    return
  }
  func.func @transform_0(%arg0: i32) -> (i32, i32, i32) {
    %c0_i32 = arith.constant 0 : i32
    %c0_i32_0 = arith.constant 0 : i32
    %c0_i32_1 = arith.constant 0 : i32
    return %c0_i32, %arg0, %c0_i32_0 : i32, i32, i32
  }
  func.func @transform_1(%arg0: i32) -> (i32, i32) {
    %c0_i32 = arith.constant 0 : i32
    %c0_i32_0 = arith.constant 0 : i32
    return %arg0, %c0_i32 : i32, i32
  }
  func.func @transform_2(%arg0: i32) -> (i32, i32) {
    %c0_i32 = arith.constant 0 : i32
    %c0_i32_0 = arith.constant 0 : i32
    return %arg0, %c0_i32 : i32, i32
  }
  func.func @transform_3(%arg0: i32) -> (i32, i32) {
    %c0_i32 = arith.constant 0 : i32
    %c0_i32_0 = arith.constant 0 : i32
    %c0_i32_1 = arith.constant 0 : i32
    return %c0_i32, %c0_i32_0 : i32, i32
  }
  func.func @transform_4(%arg0: i32) -> (i32, i32) {
    %c0_i32 = arith.constant 0 : i32
    %c0_i32_0 = arith.constant 0 : i32
    return %arg0, %c0_i32 : i32, i32
  }
}

</mosaic_0001>

<sc_bundles>
// kernel: kernel.11.cloned.1.call-start
scs
__scs_entry_jumppad:
0x0: {  	(pc) =	sbr.rel $0x88, $3  }
0x1: {  	(tag) =	ssettag $0x0;
	lr =	simm.s32 $0x1  }
0x2: {  	[smem:$0x3F9B] =	sst lr;
	_ =	strace $0xD0000000  }
0x3: {  	_ = 	snop  }
0x4: {  	_ = 	snop  }
0x5: {  	_ = 	snop  }
0x6: {  	_ = 	snop  }
0x7: {  	_ = 	snop  }
__scs_overlays_trampoline_lowered:
0x8: {  	[smem:$0x3FAA] =	sst s0  }
0x9: {  	[smem:$0x3FAB] =	sst s1  }
0xa: {  	[smem:$0x3FAC] =	sst s2  }
0xb: {  	[smem:$0x3FAD] =	sst s3  }
0xc: {  	[smem:$0x3FAE] =	sst s4  }
0xd: {  	[smem:$0x3FAF] =	sst s5  }
0xe: {  	[smem:$0x3FB0] =	sst s6  }
0xf: {  	[smem:$0x3FB1] =	sst s7  }
0x10: {  	[smem:$0x3FB2] =	sst s8  }
0x11: {  	[smem:$0x3FB3] =	sst s9;
	s0 =	simm.s32 @!p0 $0x0  }
0x12: {  	s1 =	sld [smem:$0x3F99];
	s0 =	simm.s32 @p0 $0x1  }
0x13: {  	[smem:$0x3FB4] =	sst s0;
	s0 =	simm.s32 @!p1 $0x0  }
0x14: {  	s2 =	sld [smem:$0x3F98];
	s0 =	simm.s32 @p1 $0x1  }
0x15: {  	[smem:$0x3FB5] =	sst s0;
	s0 =	simm.s32 @!p2 $0x0  }
0x16: {  	s3 =	sld [smem:$0x3FDB];
	s0 =	simm.s32 @p2 $0x1  }
0x17: {  	s4 =	simm.s32 $0x1BF5;
	[smem:$0x3FB7] =	sst s0  }
0x18: {  	s0 =	sld [smem:$0x3F9A];
	_ =	swait.ge [sflag:s4], $0x0  }
0x19: {  	s7 =	sld [smem:$0x3F9B]  }
0x1a: {  	s8 =	sadd.s32 $0xFFFFE003, lr  }
0x1b: {  	s9 =	sadd.s32 $0xFFFFFEF7, lr;
	s5 =	simm.s32 $0xFFFFFFFF;
	p2 =	slt.u32 s8, $0xFFFFF086  }
0x1c: {  	p1 =	slt.u32 s9, $0xF7A;
	s5 =	simm.s32 @!p2 $0x0  }
0x1d: {  	s5 =	simm.s32 @p1 $0x1;
	p0 =	seq.s32 s7, s2  }
0x1e: {  	s7 =	smul.u32 @!p0 $0xF7A, s2;
	p2 =	seq.s32 @!p0 s5, $0x0  }
0x1f: {  	s9 =	smul.u32 $0xF7A, s1;
	s8 =	simm.s32 @!p0 $0x1BF5;
	p2 =	por !p2, p0  }
0x20: {  	[sflag:s8] =	ssyncset.s32 @!p0 $0xFFFFF086;
	s6 =	sadd.s32 @!p0 s3, s7;
	s7 =	simm.s32 @!p0 $0x108  }
0x21: {  	s3 =	sadd.s32 s3, s9;
	s6 =	sadd.s32 @!p0 $0x88, s6;
	s7 =	simm.s32 @p2 $0x1082  }
0x22: {  	[simem:s7], [sflag:s8] =	dma.local @!p0 [hbm:s6], $0xF7A  }
0x23: {  	s9 =	sor.u32 $0xD0000000, s2;
	s6 =	simm.s32 $0x108;
	_ =	swait.ge @!p0 [sflag:s8], $0x0  }
0x24: {  	s3 =	sadd.s32 $0x88, s3;
	s6 =	simm.s32 @!p1 $0x1082;
	[sflag:s4] =	ssyncset.s32 $0xFFFFF086  }
0x25: {  	[simem:s6], [sflag:s4] =	dma.local [hbm:s3], $0xF7A  }
0x26: {  	[smem:$0x3F9B] =	sst s1;
	(tag) =	ssettag s2;
	_ =	strace s9  }
0x27: {  	s1 =	sld [smem:$0x3FAB]  }
0x28: {  	s2 =	sld [smem:$0x3FAC]  }
0x29: {  	s4 =	sld [smem:$0x3FAE]  }
0x2a: {  	p0 =	seq.s32 s5, $0x0;
	s5 =	sld [smem:$0x3FAF]  }
0x2b: {  	s6 =	sld [smem:$0x3FB0]  }
0x2c: {  	s7 =	sld [smem:$0x3FB1]  }
0x2d: {  	s3 =	simm.s32 $0x108;
	s8 =	sld [smem:$0x3FB2]  }
0x2e: {  	s3 =	simm.s32 @!p0 $0x1082;
	s9 =	sld [smem:$0x3FB3]  }
0x2f: {  	lr =	sadd.s32 s0, s3;
	s0 =	sld [smem:$0x3FAA]  }
0x30: {  	s3 =	sld [smem:$0x3FAD]  }
0x31: {  	[smem:$0x3FB6] =	sst s10  }
0x32: {  	s10 =	sld [smem:$0x3FB4];
	_ =	sdelay $0x3  }
0x33: {  	p0 =	seq.s32 s10, $0x1;
	s10 =	sld [smem:$0x3FB6];
	_ =	sdelay $0x3  }
0x34: {  	[smem:$0x3FB6] =	sst s10  }
0x35: {  	s10 =	sld [smem:$0x3FB5];
	_ =	sdelay $0x3  }
0x36: {  	p1 =	seq.s32 s10, $0x1;
	s10 =	sld [smem:$0x3FB6];
	_ =	sdelay $0x3  }
0x37: {  	[smem:$0x3FB6] =	sst s10  }
0x38: {  	s10 =	sld [smem:$0x3FB7]  }
0x39: {  	_ = 	snop;
	(pc) =	sbr.ind lr, $3  }
0x3a: {  	_ = 	snop  }
0x3b: {  	_ = 	snop  }
0x3c: {  	p2 =	seq.s32 s10, $0x1;
	s10 =	sld [smem:$0x3FB6]  }
0x3d: {  	_ =	shalt  }
0x3e: {  	_ =	shalt  }
0x3f: {  	_ =	shalt  }
0x40: {  	_ =	shalt  }
0x41: {  	_ =	shalt  }
0x42: {  	_ =	shalt  }
0x43: {  	_ =	shalt  }
0x44: {  	_ =	shalt  }
0x45: {  	_ =	shalt  }
0x46: {  	_ =	shalt  }
0x47: {  	_ =	shalt  }
0x48: {  	_ =	shalt  }
0x49: {  	_ =	shalt  }
0x4a: {  	_ =	shalt  }
0x4b: {  	_ =	shalt  }
0x4c: {  	_ =	shalt  }
0x4d: {  	_ =	shalt  }
0x4e: {  	_ =	shalt  }
0x4f: {  	_ =	shalt  }
0x50: {  	_ =	shalt  }
0x51: {  	_ =	shalt  }
0x52: {  	_ =	shalt  }
0x53: {  	_ =	shalt  }
0x54: {  	_ =	shalt  }
0x55: {  	_ =	shalt  }
0x56: {  	_ =	shalt  }
0x57: {  	_ =	shalt  }
0x58: {  	_ =	shalt  }
0x59: {  	_ =	shalt  }
0x5a: {  	_ =	shalt  }
0x5b: {  	_ =	shalt  }
0x5c: {  	_ =	shalt  }
0x5d: {  	_ =	shalt  }
0x5e: {  	_ =	shalt  }
0x5f: {  	_ =	shalt  }
0x60: {  	_ =	shalt  }
0x61: {  	_ =	shalt  }
0x62: {  	_ =	shalt  }
0x63: {  	_ =	shalt  }
0x64: {  	_ =	shalt  }
0x65: {  	_ =	shalt  }
0x66: {  	_ =	shalt  }
0x67: {  	_ =	shalt  }
0x68: {  	_ =	shalt  }
0x69: {  	_ =	shalt  }
0x6a: {  	_ =	shalt  }
0x6b: {  	_ =	shalt  }
0x6c: {  	_ =	shalt  }
0x6d: {  	_ =	shalt  }
0x6e: {  	_ =	shalt  }
0x6f: {  	_ =	shalt  }
0x70: {  	_ =	shalt  }
0x71: {  	_ =	shalt  }
0x72: {  	_ =	shalt  }
0x73: {  	_ =	shalt  }
0x74: {  	_ =	shalt  }
0x75: {  	_ =	shalt  }
0x76: {  	_ =	shalt  }
0x77: {  	_ =	shalt  }
0x78: {  	_ =	shalt  }
0x79: {  	_ =	shalt  }
0x7a: {  	_ =	shalt  }
0x7b: {  	_ =	shalt  }
0x7c: {  	_ =	shalt  }
0x7d: {  	_ =	shalt  }
0x7e: {  	_ =	shalt  }
0x7f: {  	_ =	shalt  }
0x80: {  	_ =	shalt  }
0x81: {  	_ =	shalt  }
0x82: {  	_ =	shalt  }
0x83: {  	_ =	shalt  }
0x84: {  	_ =	shalt  }
0x85: {  	_ =	shalt  }
0x86: {  	_ =	shalt  }
0x87: {  	_ =	shalt  }
.Lfunc_end0:
.L_simem_size_0:
called_computation.1_lowered:
.L_overlay_start_0:
0x88: {  	s2 =	sld [smem:$0x3FD9]  }
0x89: {  	s3 =	sld [smem:$0x3FFE];
	_ =	sdelay $0x1  }
0x8a: {  	s1 =	srdreg.scid  }
0x8b: {  	s0 =	sand.u32 $0x1, s1  }
0x8c: {  	s17 =	sshll.u32 s0, $0xA;
	s2 =	sadd.s32 s3, s2  }
0x8d: {  	s2 =	sadd.s32 s2, s17  }
0x8e: {  	[smem:$0x3FC2] =	sst s2  }
0x8f: {  	_ = 	snop  }
0x90: {  	s2 =	sld [smem:$0x3FD0];
	(tm) =	ssettm $0x1  }
0x91: {  	s18 =	sld [smem:$0x3FFB];
	_ =	sdelay $0x3  }
0x92: {  	_ =	strace s18  }
0x93: {  	s3 =	sld [smem:$0x3FFC];
	_ =	sdelay $0x3  }
0x94: {  	_ =	strace s3  }
0x95: {  	s3 =	sld [smem:$0x3FFD];
	_ =	sdelay $0x3  }
0x96: {  	_ =	strace s3  }
0x97: {  	_ =	strace $0x8FFFFFFF  }
0x98: {  	s19 =	sld [smem:$0x3FDB];
	_ =	sdelay $0x1  }
0x99: {  	s4 =	simm.s32 $_scs_section_size  }
0x9a: {  	s5 =	simm.s32 $_size__tile_overlayer_lowered;
	s6 =	simm.s32 $_tile_overlayer_lowered  }
0x9b: {  	s22 =	simm.s32 $0x1BFF;
	s21 =	sshll.u32 s6, $0x1;
	s3 =	sadd.s32 s4, s19  }
0x9c: {  	s7 =	simm.s32 $0x0;
	s20 =	sshll.u32 s5, $0x1;
	s5 =	sadd.s32 s21, s3  }
0x9d: {  	[timem:s7], [sflag:s22] =	dma.local [hbm:s5], s20  }
0x9e: {  	_ =	swait.ge [sflag:s22], s20  }
0x9f: {  	s4 =	ssub.s32 $0x0, s20;
	[sflag:s22] =	ssyncset.done $0x0  }
0xa0: {  	[sflag:s22] =	ssyncadd.s32 s4;
	_ =	sdelay $0x1  }
0xa1: {  	s23 =	simm.s32 $0x1B8B  }
0xa2: {  	_ =	swait.ge [sflag:s23], $0x1  }
0xa3: {  	[sflag:s23] =	ssyncset.done $0x0  }
0xa4: {  	s25 =	simm.s32 $0x1B8E;
	s24 =	sld [smem:$0x3FFE];
	[sflag:s23] =	ssyncadd.s32 $0xFFFFFFFF  }
0xa5: {  	s26 =	simm.s32 $execute0_lowered;
	[smem:$0x3FD2] =	sst s25  }
0xa6: {  	s5 =	sshll.u32 s26, $0x1;
	_ =	strace $0x80000049;
	[dreg:$0x1] =	wrdreg $0xFFFFFFFF  }
0xa7: {  	s28 =	simm.s32 $_size_execute0_lowered;
	s3 =	sadd.s32 s3, s5;
	[dreg:$0x0] =	wrdreg $0x0  }
0xa8: {  	s5 =	sshll.u32 s28, $0x1;
	[dreg:$0x2] =	wrdreg s3  }
0xa9: {  	[dreg:$0x3] =	wrdreg s5  }
0xaa: {  	[dreg:$0x4] =	wrdreg $0xC0  }
0xab: {  	_ =	task [dreg:s7], $0x5FFFF  }
0xac: {  	[dreg:$0x1] =	wrdreg $0xFFFFFFFF  }
0xad: {  	[dreg:$0x0] =	wrdreg $0x60  }
0xae: {  	[dreg:$0x2] =	wrdreg s24  }
0xaf: {  	[dreg:$0x3] =	wrdreg s2  }
0xb0: {  	[dreg:$0x4] =	wrdreg $0x90000  }
0xb1: {  	[dreg:$0x5] =	wrdreg $0x9  }
0xb2: {  	_ =	task.clear_ibuf [dreg:s7], $0x6FFFF;
	_ =	strace $0x90000049  }
0xb3: {  	s29 =	simm.s32 $0x9;
	_ =	strace $0x8000004B  }
0xb4: {  	_ =	swait.ge [sflag:s29], $0x1  }
0xb5: {  	[sflag:s29] =	ssyncadd.s32 $0xFFFFFFFF  }
0xb6: {  	_ =	strace $0x9000004B  }
0xb7: {  	_ =	sfence  }
0xb8: {  	s30 =	sld [smem:$0x0];
	_ =	sdelay $0x2  }
0xb9: {  	s31 =	sshll.u32 s1, $0xD;
	s1 =	sshrl.u32 s1, $0x2  }
0xba: {  	s3 =	sand.u32 $0x4000, s31;
	s1 =	sadd.s32 s1, s30  }
0xbb: {  	s0 =	sor.u32 s3, s0;
	s1 =	sshll.u32 s1, $0x11  }
0xbc: {  	s0 =	sor.u32 s1, s0  }
0xbd: {  	s0 =	sadd.s32 $0x8F2B, s0  }
0xbe: {  	[sflag:s0] =	ssyncadd.remote.s32 $0x1  }
0xbf: {  	_ =	sfence.sel $0xFFFF  }
0xc0: {  	[dreg:$0x0] =	wrdreg $0xFFFFFFFF;
	(pc) =	sbr.abs _section_cstart, $3  }
0xc1: {  	[dreg:$0x1] =	wrdreg $0xFFFFFFFF  }
0xc2: {  	_ =	task.clear_ibuf [dreg:s7], $0x2FFFF;
	_ =	strace $0x9FFFFFFF  }
0xc3: {  	(tm) =	ssettm $0x7FFFFFFF  }
tec
execute0_lowered:
.L_overlay_start_1:
0x0: {  	(tag) =	ssettag $0x1  }
0x1: {  	s6 =	rddreg [dreg:$0x0]  }
0x2: {  	s0 =	srdreg.scid;
	s11 =	rddreg [dreg:$0x1]  }
0x3: {  	s2 =	rddreg [dreg:$0x2];
	s3 =	simm.s32 $0x0;
	s15 =	simm.s32 $0x2  }
0x4: {  	s16 =	simm.s32 $0x2800;
	s17 =	simm.s32 $0x80;
	s5 =	sand.u32 $0x1, s0  }
0x5: {  	s18 =	simm.s32 $0x1;
	s0 =	stileid.u32;
	s7 =	smul.u32 $0x140000, s5  }
0x6: {  	[smem:$0x7FF] =	sst s3;
	s4 =	sadd.s32 $0xCE00, s6;
	s8 =	smul.u32 $0x14000, s0  }
0x7: {  	s1 =	sshll.u32 s5, $0x4;
	s9 =	smul.u32 $0x50000, s0;
	s29 =	ssub.s32 $0x2, s5  }
0x8: {  	s19 =	sshll.u32 s0, $0x6;
	s1 =	sor.u32 s0, s1;
	s31 =	sshrl.u32 s29, $0x1  }
0x9: {  	s19 =	sor.u32 $0x1C02, s19;
	s12 =	smul.u32 $0x500, s1;
	s1 =	rddreg [dreg:$0x3]  }
0xa: {  	_ =	strace $0x8000004A;
	s7 =	sadd.s32 s8, s7;
	s30 =	sshrl.u32 s9, $0x2  }
0xb: {  	s14 =	ssub.s32 s29, s31;
	s7 =	sshrl.u32 s7, $0x3;
	s5 =	sadd.s32 s30, s2  }
0xc: {  	s10 =	sadd.s32 s12, s6;
	s13 =	sadd.s32 s7, s6;
	s6 =	sadd.s32 $0x4000, s5  }
0xd: {  	s7 =	sadd.s32 $0x8000, s5;
	s8 =	sadd.s32 $0xC000, s5;
	s9 =	sadd.s32 $0x10000, s5  }
0xe: {  	s11 =	sadd.s32 s11, s12;
	s20 =	sshrl.u32 s5, $0x3;
	s10 =	sadd.s32 $0x2E00, s10  }
0xf: {  	v0 =	vimm.f32 $0.0e+00;
	s12 =	sadd.s32 $0x34E00, s13;
	s13 =	smax.u32 s14, $0x1;
	s14 =	simm.s32 $0x5000  }
.LBB2_1:
0x10: {  	s21 =	simm.s32 $0x0;
	s22 =	simm.s32 $0x200  }
.LBB2_2:
0x11: {  	p0 =	sne.s32 s22, $0xFE00;
	[tilespmem:s21+$0x5070] =	vst v0  }
0x12: {  	[tilespmem:s21+$0x5000] =	vst v0  }
0x13: {  	[tilespmem:s21+$0x5010] =	vst v0  }
.Ltmp0:
0x14: {  	[tilespmem:s21+$0x5020] =	vst v0;
	(pc) =	sbr.rel @p0 .LBB2_2-.Ltmp0, $4  }
0x15: {  	[tilespmem:s21+$0x5030] =	vst v0  }
0x16: {  	[tilespmem:s21+$0x5040] =	vst v0  }
0x17: {  	[tilespmem:s21+$0x5050] =	vst v0  }
0x18: {  	[tilespmem:s21+$0x5060] =	vst v0;
	s21 =	sshra.s32 s22, $0x2;
	s22 =	sadd.s32 $0x200, s22  }
0x19: {  	[tilespmem:s21+$0x5070] =	vst v0  }
0x1a: {  	[tilespmem:s21+$0x5000] =	vst v0  }
0x1b: {  	[tilespmem:s21+$0x5010] =	vst v0  }
0x1c: {  	[tilespmem:s21+$0x5020] =	vst v0  }
0x1d: {  	[tilespmem:s21+$0x5030] =	vst v0  }
0x1e: {  	[tilespmem:s21+$0x5040] =	vst v0  }
0x1f: {  	[tilespmem:s21+$0x5050] =	vst v0  }
0x20: {  	[tilespmem:s21+$0x5060] =	vst v0  }
0x21: {  	[spmem:s5] =	stream.linear.scatter [tilespmem:s14], [sflag:$0x2], $0x4000, $0x38;
	[tilespmem:$0x1D000] =	vst v63  }
0x22: {  	_ =	swait.ge [sflag:s15], $0x4000  }
0x23: {  	[sflag:s15] =	ssyncset.done $0x0  }
0x24: {  	[sflag:s15] =	ssyncadd.s32 $0xFFFFC000  }
0x25: {  	[spmem:s6] =	stream.linear.scatter [tilespmem:s14], [sflag:$0x2], $0x4000, $0x38;
	[tilespmem:$0x1D000] =	vst v63  }
0x26: {  	_ =	swait.ge [sflag:s15], $0x4000  }
0x27: {  	[sflag:s15] =	ssyncset.done $0x0  }
0x28: {  	[sflag:s15] =	ssyncadd.s32 $0xFFFFC000  }
0x29: {  	[spmem:s7] =	stream.linear.scatter [tilespmem:s14], [sflag:$0x2], $0x4000, $0x38;
	[tilespmem:$0x1D000] =	vst v63  }
0x2a: {  	_ =	swait.ge [sflag:s15], $0x4000  }
0x2b: {  	[sflag:s15] =	ssyncset.done $0x0  }
0x2c: {  	[sflag:s15] =	ssyncadd.s32 $0xFFFFC000  }
0x2d: {  	[spmem:s8] =	stream.linear.scatter [tilespmem:s14], [sflag:$0x2], $0x4000, $0x38;
	[tilespmem:$0x1D000] =	vst v63  }
0x2e: {  	_ =	swait.ge [sflag:s15], $0x4000  }
0x2f: {  	[sflag:s15] =	ssyncset.done $0x0  }
0x30: {  	[sflag:s15] =	ssyncadd.s32 $0xFFFFC000  }
0x31: {  	[spmem:s9] =	stream.linear.scatter [tilespmem:s14], [sflag:$0x2], $0x4000, $0x38;
	[tilespmem:$0x1D000] =	vst v63  }
0x32: {  	_ =	swait.ge [sflag:s15], $0x4000  }
0x33: {  	[sflag:s15] =	ssyncset.done $0x0  }
0x34: {  	[sflag:s15] =	ssyncadd.s32 $0xFFFFC000  }
0x35: {  	s29 =	simm.s32 $0x0;
	[bflag:$0x0] =	sbarrier.arrive $0xFFFF  }
0x36: {  	[tilespmem:s29], [sflag:$0x2] =	stream.linear.gather [hbm4b:s10+s29], $0x2780, $0x38;
	[tilespmem:$0x1D000] =	vst v63  }
0x37: {  	_ =	swait.ge [sflag:s15], $0x2780  }
0x38: {  	[sflag:s15] =	ssyncset.done $0x0  }
0x39: {  	[sflag:s15] =	ssyncadd.s32 $0xFFFFD880  }
0x3a: {  	[tilespmem:s16], [sflag:$0x2] =	stream.linear.gather [hbm4b:s11+s29], $0x2780, $0x38;
	[tilespmem:$0x1D000] =	vst v63  }
0x3b: {  	_ =	swait.ge [sflag:s15], $0x2780  }
0x3c: {  	[sflag:s15] =	ssyncset.done $0x0  }
0x3d: {  	s30 =	simm.s32 $0x0;
	[sflag:s15] =	ssyncadd.s32 $0xFFFFD880  }
0x3e: {  	[tilespmem:s14], [sflag:$0x1] =	stream.indirect.gather [hbm4b:s4+s17], $0x80, s30, s17, $0xb8;
	[tilespmem:$0x1D000] =	vst v63  }
0x3f: {  	_ =	swait.ge [sflag:s18], $0x4000  }
0x40: {  	[sflag:s18] =	ssyncset.done $0x0  }
0x41: {  	s31 =	simm.s32 $0x2800;
	[sflag:s18] =	ssyncadd.s32 $0xFFFFC000  }
0x42: {  	[spmem:s2] =	stream.indirect.scatter.add.f32 [tilespmem:s14], [sflag:$0x2], $0x80, s31, s17, $0xb8;
	[tilespmem:$0x1D000] =	vst v63  }
0x43: {  	_ =	swait.ge [sflag:s15], $0x4000  }
0x44: {  	s21 =	simm.s32 $0x200;
	s22 =	simm.s32 $0x400;
	[sflag:s15] =	ssyncset.done $0x0  }
.LBB2_4:
0x45: {  	s23 =	sshra.s32 s21, $0x2  }
0x46: {  	[sflag:s15] =	ssyncadd.s32 $0xFFFFC000;
	s21 =	smov.u32 s22;
	s24 =	sadd.s32 $0x200, s22  }
0x47: {  	[tilespmem:s14], [sflag:$0x1] =	stream.indirect.gather [hbm4b:s4+s17], $0x80, s23, s17, $0xb8;
	[tilespmem:$0x1D000] =	vst v63  }
0x48: {  	p0 =	sne.s32 s22, $0x9C00;
	_ =	swait.ge [sflag:s18], $0x4000  }
.Ltmp1:
0x49: {  	[sflag:s18] =	ssyncset.done $0x0;
	(pc) =	sbr.rel @p0 .LBB2_4-.Ltmp1, $4  }
0x4a: {  	s22 =	sadd.s32 $0x2800, s23;
	[sflag:s18] =	ssyncadd.s32 $0xFFFFC000  }
0x4b: {  	[spmem:s2] =	stream.indirect.scatter.add.f32 [tilespmem:s14], [sflag:$0x2], $0x80, s22, s17, $0xb8;
	[tilespmem:$0x1D000] =	vst v63  }
0x4c: {  	_ =	swait.ge [sflag:s15], $0x4000  }
0x4d: {  	s22 =	smov.u32 s24;
	[sflag:s15] =	ssyncset.done $0x0  }
0x4e: {  	s21 =	sshra.s32 s21, $0x2;
	[sflag:s15] =	ssyncadd.s32 $0xFFFFC000  }
0x4f: {  	[tilespmem:s14], [sflag:$0x1] =	stream.indirect.gather [hbm4b:s4+s17], $0x80, s21, s17, $0xb8;
	[tilespmem:$0x1D000] =	vst v63  }
0x50: {  	_ =	swait.ge [sflag:s18], $0x4000  }
0x51: {  	[sflag:s18] =	ssyncset.done $0x0  }
0x52: {  	s21 =	sadd.s32 $0x2800, s21;
	[sflag:s18] =	ssyncadd.s32 $0xFFFFC000  }
0x53: {  	[spmem:s2] =	stream.indirect.scatter.add.f32 [tilespmem:s14], [sflag:$0x2], $0x80, s21, s17, $0xb8;
	[tilespmem:$0x1D000] =	vst v63  }
0x54: {  	_ =	swait.ge [sflag:s15], $0x4000  }
0x55: {  	s3 =	sadd.s32 $0x1, s3;
	[sflag:s15] =	ssyncset.done $0x0  }
0x56: {  	p0 =	sne.s32 s3, s13;
	[sflag:s15] =	ssyncadd.s32 $0xFFFFC000  }
.Ltmp2:
0x57: {  	[bflag:$0x0] =	sbarrier.arrive $0xFFFF;
	(pc) =	sbr.rel @p0 .LBB2_1-.Ltmp2, $4  }
0x58: {  	[hbm:s12], [sflag:s19] =	dma.local [spmem:s20], $0x2800  }
0x59: {  	_ =	swait.ge [sflag:s15], $0x2800  }
0x5a: {  	[sflag:s15] =	ssyncset.done $0x0  }
0x5b: {  	[sflag:s15] =	ssyncadd.s32 $0xFFFFD800  }
0x5c: {  	_ =	sfence.sel $0x180000  }
0x5d: {  	[bflag:$0x0] =	sbarrier.arrive $0xFFFF  }
0x5e: {  	p0 =	sne.s32 s0, $0x0;
	_ =	strace $0x9000004A  }
0x5f: {  	s0 =	sadd.s32 @!p0 $0x100000, s1;
	[bflag:$0x2] =	sbarrier.arrive $0xFFFF  }
0x60: {  	[sflag:s0] =	ssyncadd.tile.s32 @!p0 $0x1;
	_ =	shalt  }
.Lfunc_end2:
_tile_overlayer_lowered:
.L_overlay_start_2:
0x61: {  	(tag) =	ssettag $0x2  }
0x62: {  	s0 =	rddreg [dreg:$0x0];
	s2 =	stileid.u32  }
0x63: {  	s1 =	rddreg [dreg:$0x1];
	p0 =	sne.s32 s2, $0x0  }
0x64: {  	s3 =	rddreg [dreg:$0x2];
	[bflag:$0x3] =	sbarrier.arrive $0xFFFF;
	s2 =	simm.s32 @!p0 $0x1C02  }
0x65: {  	[timem:s3], [sflag:s2] =	dma.local @!p0 [hbm:s0], s1  }
0x66: {  	s0 =	simm.s32 @!p0 $0x2  }
0x67: {  	_ =	swait.ge @!p0 [sflag:s0], s1  }
0x68: {  	s1 =	ssub.s32 @!p0 $0x0, s1;
	[sflag:s0] =	ssyncset.done @!p0 $0x0  }
0x69: {  	[sflag:s0] =	ssyncadd.s32 @!p0 s1  }
0x6a: {  	[bflag:$0x3] =	sbarrier.arrive $0xFFFF  }
0x6b: {  	_ =	shalt  }

// kernel: kernel.14.cloned.1.call-start
scs
__scs_entry_jumppad:
0x0: {  	(pc) =	sbr.rel $0x88, $3  }
0x1: {  	(tag) =	ssettag $0x0;
	lr =	simm.s32 $0x1  }
0x2: {  	[smem:$0x3F9B] =	sst lr;
	_ =	strace $0xD0000000  }
0x3: {  	_ = 	snop  }
0x4: {  	_ = 	snop  }
0x5: {  	_ = 	snop  }
0x6: {  	_ = 	snop  }
0x7: {  	_ = 	snop  }
__scs_overlays_trampoline_lowered:
0x8: {  	[smem:$0x3FAA] =	sst s0  }
0x9: {  	[smem:$0x3FAB] =	sst s1  }
0xa: {  	[smem:$0x3FAC] =	sst s2  }
0xb: {  	[smem:$0x3FAD] =	sst s3  }
0xc: {  	[smem:$0x3FAE] =	sst s4  }
0xd: {  	[smem:$0x3FAF] =	sst s5  }
0xe: {  	[smem:$0x3FB0] =	sst s6  }
0xf: {  	[smem:$0x3FB1] =	sst s7  }
0x10: {  	[smem:$0x3FB2] =	sst s8  }
0x11: {  	[smem:$0x3FB3] =	sst s9;
	s0 =	simm.s32 @!p0 $0x0  }
0x12: {  	s1 =	sld [smem:$0x3F99];
	s0 =	simm.s32 @p0 $0x1  }
0x13: {  	[smem:$0x3FB4] =	sst s0;
	s0 =	simm.s32 @!p1 $0x0  }
0x14: {  	s2 =	sld [smem:$0x3F98];
	s0 =	simm.s32 @p1 $0x1  }
0x15: {  	[smem:$0x3FB5] =	sst s0;
	s0 =	simm.s32 @!p2 $0x0  }
0x16: {  	s3 =	sld [smem:$0x3FDB];
	s0 =	simm.s32 @p2 $0x1  }
0x17: {  	s4 =	simm.s32 $0x1BF5;
	[smem:$0x3FB7] =	sst s0  }
0x18: {  	s0 =	sld [smem:$0x3F9A];
	_ =	swait.ge [sflag:s4], $0x0  }
0x19: {  	s7 =	sld [smem:$0x3F9B]  }
0x1a: {  	s8 =	sadd.s32 $0xFFFFE003, lr  }
0x1b: {  	s9 =	sadd.s32 $0xFFFFFEF7, lr;
	s5 =	simm.s32 $0xFFFFFFFF;
	p2 =	slt.u32 s8, $0xFFFFF086  }
0x1c: {  	p1 =	slt.u32 s9, $0xF7A;
	s5 =	simm.s32 @!p2 $0x0  }
0x1d: {  	s5 =	simm.s32 @p1 $0x1;
	p0 =	seq.s32 s7, s2  }
0x1e: {  	s7 =	smul.u32 @!p0 $0xF7A, s2;
	p2 =	seq.s32 @!p0 s5, $0x0  }
0x1f: {  	s9 =	smul.u32 $0xF7A, s1;
	s8 =	simm.s32 @!p0 $0x1BF5;
	p2 =	por !p2, p0  }
0x20: {  	[sflag:s8] =	ssyncset.s32 @!p0 $0xFFFFF086;
	s6 =	sadd.s32 @!p0 s3, s7;
	s7 =	simm.s32 @!p0 $0x108  }
0x21: {  	s3 =	sadd.s32 s3, s9;
	s6 =	sadd.s32 @!p0 $0x88, s6;
	s7 =	simm.s32 @p2 $0x1082  }
0x22: {  	[simem:s7], [sflag:s8] =	dma.local @!p0 [hbm:s6], $0xF7A  }
0x23: {  	s9 =	sor.u32 $0xD0000000, s2;
	s6 =	simm.s32 $0x108;
	_ =	swait.ge @!p0 [sflag:s8], $0x0  }
0x24: {  	s3 =	sadd.s32 $0x88, s3;
	s6 =	simm.s32 @!p1 $0x1082;
	[sflag:s4] =	ssyncset.s32 $0xFFFFF086  }
0x25: {  	[simem:s6], [sflag:s4] =	dma.local [hbm:s3], $0xF7A  }
0x26: {  	[smem:$0x3F9B] =	sst s1;
	(tag) =	ssettag s2;
	_ =	strace s9  }
0x27: {  	s1 =	sld [smem:$0x3FAB]  }
0x28: {  	s2 =	sld [smem:$0x3FAC]  }
0x29: {  	s4 =	sld [smem:$0x3FAE]  }
0x2a: {  	p0 =	seq.s32 s5, $0x0;
	s5 =	sld [smem:$0x3FAF]  }
0x2b: {  	s6 =	sld [smem:$0x3FB0]  }
0x2c: {  	s7 =	sld [smem:$0x3FB1]  }
0x2d: {  	s3 =	simm.s32 $0x108;
	s8 =	sld [smem:$0x3FB2]  }
0x2e: {  	s3 =	simm.s32 @!p0 $0x1082;
	s9 =	sld [smem:$0x3FB3]  }
0x2f: {  	lr =	sadd.s32 s0, s3;
	s0 =	sld [smem:$0x3FAA]  }
0x30: {  	s3 =	sld [smem:$0x3FAD]  }
0x31: {  	[smem:$0x3FB6] =	sst s10  }
0x32: {  	s10 =	sld [smem:$0x3FB4];
	_ =	sdelay $0x3  }
0x33: {  	p0 =	seq.s32 s10, $0x1;
	s10 =	sld [smem:$0x3FB6];
	_ =	sdelay $0x3  }
0x34: {  	[smem:$0x3FB6] =	sst s10  }
0x35: {  	s10 =	sld [smem:$0x3FB5];
	_ =	sdelay $0x3  }
0x36: {  	p1 =	seq.s32 s10, $0x1;
	s10 =	sld [smem:$0x3FB6];
	_ =	sdelay $0x3  }
0x37: {  	[smem:$0x3FB6] =	sst s10  }
0x38: {  	s10 =	sld [smem:$0x3FB7]  }
0x39: {  	_ = 	snop;
	(pc) =	sbr.ind lr, $3  }
0x3a: {  	_ = 	snop  }
0x3b: {  	_ = 	snop  }
0x3c: {  	p2 =	seq.s32 s10, $0x1;
	s10 =	sld [smem:$0x3FB6]  }
0x3d: {  	_ =	shalt  }
0x3e: {  	_ =	shalt  }
0x3f: {  	_ =	shalt  }
0x40: {  	_ =	shalt  }
0x41: {  	_ =	shalt  }
0x42: {  	_ =	shalt  }
0x43: {  	_ =	shalt  }
0x44: {  	_ =	shalt  }
0x45: {  	_ =	shalt  }
0x46: {  	_ =	shalt  }
0x47: {  	_ =	shalt  }
0x48: {  	_ =	shalt  }
0x49: {  	_ =	shalt  }
0x4a: {  	_ =	shalt  }
0x4b: {  	_ =	shalt  }
0x4c: {  	_ =	shalt  }
0x4d: {  	_ =	shalt  }
0x4e: {  	_ =	shalt  }
0x4f: {  	_ =	shalt  }
0x50: {  	_ =	shalt  }
0x51: {  	_ =	shalt  }
0x52: {  	_ =	shalt  }
0x53: {  	_ =	shalt  }
0x54: {  	_ =	shalt  }
0x55: {  	_ =	shalt  }
0x56: {  	_ =	shalt  }
0x57: {  	_ =	shalt  }
0x58: {  	_ =	shalt  }
0x59: {  	_ =	shalt  }
0x5a: {  	_ =	shalt  }
0x5b: {  	_ =	shalt  }
0x5c: {  	_ =	shalt  }
0x5d: {  	_ =	shalt  }
0x5e: {  	_ =	shalt  }
0x5f: {  	_ =	shalt  }
0x60: {  	_ =	shalt  }
0x61: {  	_ =	shalt  }
0x62: {  	_ =	shalt  }
0x63: {  	_ =	shalt  }
0x64: {  	_ =	shalt  }
0x65: {  	_ =	shalt  }
0x66: {  	_ =	shalt  }
0x67: {  	_ =	shalt  }
0x68: {  	_ =	shalt  }
0x69: {  	_ =	shalt  }
0x6a: {  	_ =	shalt  }
0x6b: {  	_ =	shalt  }
0x6c: {  	_ =	shalt  }
0x6d: {  	_ =	shalt  }
0x6e: {  	_ =	shalt  }
0x6f: {  	_ =	shalt  }
0x70: {  	_ =	shalt  }
0x71: {  	_ =	shalt  }
0x72: {  	_ =	shalt  }
0x73: {  	_ =	shalt  }
0x74: {  	_ =	shalt  }
0x75: {  	_ =	shalt  }
0x76: {  	_ =	shalt  }
0x77: {  	_ =	shalt  }
0x78: {  	_ =	shalt  }
0x79: {  	_ =	shalt  }
0x7a: {  	_ =	shalt  }
0x7b: {  	_ =	shalt  }
0x7c: {  	_ =	shalt  }
0x7d: {  	_ =	shalt  }
0x7e: {  	_ =	shalt  }
0x7f: {  	_ =	shalt  }
0x80: {  	_ =	shalt  }
0x81: {  	_ =	shalt  }
0x82: {  	_ =	shalt  }
0x83: {  	_ =	shalt  }
0x84: {  	_ =	shalt  }
0x85: {  	_ =	shalt  }
0x86: {  	_ =	shalt  }
0x87: {  	_ =	shalt  }
.Lfunc_end0:
.L_simem_size_0:
called_computation.2_lowered:
.L_overlay_start_0:
0x88: {  	s2 =	sld [smem:$0x3FD9]  }
0x89: {  	s3 =	sld [smem:$0x3FFE];
	_ =	sdelay $0x1  }
0x8a: {  	s1 =	srdreg.scid  }
0x8b: {  	s0 =	sand.u32 $0x1, s1  }
0x8c: {  	s17 =	sshll.u32 s0, $0xA;
	s2 =	sadd.s32 s3, s2  }
0x8d: {  	s2 =	sadd.s32 s2, s17  }
0x8e: {  	[smem:$0x3FC2] =	sst s2  }
0x8f: {  	_ = 	snop  }
0x90: {  	s2 =	sld [smem:$0x3FD0];
	(tm) =	ssettm $0x1  }
0x91: {  	s18 =	sld [smem:$0x3FFB];
	_ =	sdelay $0x3  }
0x92: {  	_ =	strace s18  }
0x93: {  	s3 =	sld [smem:$0x3FFC];
	_ =	sdelay $0x3  }
0x94: {  	_ =	strace s3  }
0x95: {  	s3 =	sld [smem:$0x3FFD];
	_ =	sdelay $0x3  }
0x96: {  	_ =	strace s3  }
0x97: {  	_ =	strace $0x8FFFFFFF  }
0x98: {  	s19 =	sld [smem:$0x3FDB];
	_ =	sdelay $0x1  }
0x99: {  	s4 =	simm.s32 $_scs_section_size  }
0x9a: {  	s5 =	simm.s32 $_size__tile_overlayer_lowered;
	s6 =	simm.s32 $_tile_overlayer_lowered  }
0x9b: {  	s22 =	simm.s32 $0x1BFF;
	s21 =	sshll.u32 s6, $0x1;
	s3 =	sadd.s32 s4, s19  }
0x9c: {  	s7 =	simm.s32 $0x0;
	s20 =	sshll.u32 s5, $0x1;
	s5 =	sadd.s32 s21, s3  }
0x9d: {  	[timem:s7], [sflag:s22] =	dma.local [hbm:s5], s20  }
0x9e: {  	_ =	swait.ge [sflag:s22], s20  }
0x9f: {  	s4 =	ssub.s32 $0x0, s20;
	[sflag:s22] =	ssyncset.done $0x0  }
0xa0: {  	[sflag:s22] =	ssyncadd.s32 s4;
	_ =	sdelay $0x1  }
0xa1: {  	s23 =	simm.s32 $0x1B8B  }
0xa2: {  	_ =	swait.ge [sflag:s23], $0x1  }
0xa3: {  	[sflag:s23] =	ssyncset.done $0x0  }
0xa4: {  	s25 =	simm.s32 $0x1B8E;
	s24 =	sld [smem:$0x3FFE];
	[sflag:s23] =	ssyncadd.s32 $0xFFFFFFFF  }
0xa5: {  	s26 =	simm.s32 $execute0_lowered;
	[smem:$0x3FD2] =	sst s25  }
0xa6: {  	s5 =	sshll.u32 s26, $0x1;
	_ =	strace $0x8000004C;
	[dreg:$0x1] =	wrdreg $0xFFFFFFFF  }
0xa7: {  	s28 =	simm.s32 $_size_execute0_lowered;
	s3 =	sadd.s32 s3, s5;
	[dreg:$0x0] =	wrdreg $0x0  }
0xa8: {  	s5 =	sshll.u32 s28, $0x1;
	[dreg:$0x2] =	wrdreg s3  }
0xa9: {  	[dreg:$0x3] =	wrdreg s5  }
0xaa: {  	[dreg:$0x4] =	wrdreg $0xC0  }
0xab: {  	_ =	task [dreg:s7], $0x5FFFF  }
0xac: {  	[dreg:$0x1] =	wrdreg $0xFFFFFFFF  }
0xad: {  	[dreg:$0x0] =	wrdreg $0x60  }
0xae: {  	[dreg:$0x2] =	wrdreg s24  }
0xaf: {  	[dreg:$0x3] =	wrdreg s2  }
0xb0: {  	[dreg:$0x4] =	wrdreg $0x90000  }
0xb1: {  	[dreg:$0x5] =	wrdreg $0x9  }
0xb2: {  	_ =	task.clear_ibuf [dreg:s7], $0x6FFFF;
	_ =	strace $0x9000004C  }
0xb3: {  	s29 =	simm.s32 $0x9;
	_ =	strace $0x8000004E  }
0xb4: {  	_ =	swait.ge [sflag:s29], $0x1  }
0xb5: {  	[sflag:s29] =	ssyncadd.s32 $0xFFFFFFFF  }
0xb6: {  	_ =	strace $0x9000004E  }
0xb7: {  	_ =	sfence  }
0xb8: {  	s30 =	sld [smem:$0x0];
	_ =	sdelay $0x2  }
0xb9: {  	s31 =	sshll.u32 s1, $0xD;
	s1 =	sshrl.u32 s1, $0x2  }
0xba: {  	s3 =	sand.u32 $0x4000, s31;
	s1 =	sadd.s32 s1, s30  }
0xbb: {  	s0 =	sor.u32 s3, s0;
	s1 =	sshll.u32 s1, $0x11  }
0xbc: {  	s0 =	sor.u32 s1, s0  }
0xbd: {  	s0 =	sadd.s32 $0x8F2B, s0  }
0xbe: {  	[sflag:s0] =	ssyncadd.remote.s32 $0x1  }
0xbf: {  	_ =	sfence.sel $0xFFFF  }
0xc0: {  	[dreg:$0x0] =	wrdreg $0xFFFFFFFF;
	(pc) =	sbr.abs _section_cstart, $3  }
0xc1: {  	[dreg:$0x1] =	wrdreg $0xFFFFFFFF  }
0xc2: {  	_ =	task.clear_ibuf [dreg:s7], $0x2FFFF;
	_ =	strace $0x9FFFFFFF  }
0xc3: {  	(tm) =	ssettm $0x7FFFFFFF  }
tec
execute0_lowered:
.L_overlay_start_1:
0x0: {  	(tag) =	ssettag $0x1  }
0x1: {  	s6 =	rddreg [dreg:$0x0]  }
0x2: {  	s0 =	srdreg.scid;
	s11 =	rddreg [dreg:$0x1]  }
0x3: {  	s2 =	rddreg [dreg:$0x2];
	s3 =	simm.s32 $0x0;
	s15 =	simm.s32 $0x2  }
0x4: {  	s16 =	simm.s32 $0x2800;
	s17 =	simm.s32 $0x80;
	s5 =	sand.u32 $0x1, s0  }
0x5: {  	s18 =	simm.s32 $0x1;
	s0 =	stileid.u32;
	s7 =	smul.u32 $0x140000, s5  }
0x6: {  	[smem:$0x7FF] =	sst s3;
	s4 =	sadd.s32 $0xCE00, s6;
	s8 =	smul.u32 $0x14000, s0  }
0x7: {  	s1 =	sshll.u32 s5, $0x4;
	s9 =	smul.u32 $0x50000, s0;
	s29 =	ssub.s32 $0x2, s5  }
0x8: {  	s19 =	sshll.u32 s0, $0x6;
	s1 =	sor.u32 s0, s1;
	s31 =	sshrl.u32 s29, $0x1  }
0x9: {  	s19 =	sor.u32 $0x1C02, s19;
	s12 =	smul.u32 $0x500, s1;
	s1 =	rddreg [dreg:$0x3]  }
0xa: {  	_ =	strace $0x8000004D;
	s7 =	sadd.s32 s8, s7;
	s30 =	sshrl.u32 s9, $0x2  }
0xb: {  	s14 =	ssub.s32 s29, s31;
	s7 =	sshrl.u32 s7, $0x3;
	s5 =	sadd.s32 s30, s2  }
0xc: {  	s10 =	sadd.s32 s12, s6;
	s13 =	sadd.s32 s7, s6;
	s6 =	sadd.s32 $0x4000, s5  }
0xd: {  	s7 =	sadd.s32 $0x8000, s5;
	s8 =	sadd.s32 $0xC000, s5;
	s9 =	sadd.s32 $0x10000, s5  }
0xe: {  	s11 =	sadd.s32 s11, s12;
	s20 =	sshrl.u32 s5, $0x3;
	s10 =	sadd.s32 $0x2E00, s10  }
0xf: {  	v0 =	vimm.f32 $0.0e+00;
	s12 =	sadd.s32 $0x34E00, s13;
	s13 =	smax.u32 s14, $0x1;
	s14 =	simm.s32 $0x5000  }
.LBB2_1:
0x10: {  	s21 =	simm.s32 $0x0;
	s22 =	simm.s32 $0x200  }
.LBB2_2:
0x11: {  	p0 =	sne.s32 s22, $0xFE00;
	[tilespmem:s21+$0x5070] =	vst v0  }
0x12: {  	[tilespmem:s21+$0x5000] =	vst v0  }
0x13: {  	[tilespmem:s21+$0x5010] =	vst v0  }
.Ltmp0:
0x14: {  	[tilespmem:s21+$0x5020] =	vst v0;
	(pc) =	sbr.rel @p0 .LBB2_2-.Ltmp0, $4  }
0x15: {  	[tilespmem:s21+$0x5030] =	vst v0  }
0x16: {  	[tilespmem:s21+$0x5040] =	vst v0  }
0x17: {  	[tilespmem:s21+$0x5050] =	vst v0  }
0x18: {  	[tilespmem:s21+$0x5060] =	vst v0;
	s21 =	sshra.s32 s22, $0x2;
	s22 =	sadd.s32 $0x200, s22  }
0x19: {  	[tilespmem:s21+$0x5070] =	vst v0  }
0x1a: {  	[tilespmem:s21+$0x5000] =	vst v0  }
0x1b: {  	[tilespmem:s21+$0x5010] =	vst v0  }
0x1c: {  	[tilespmem:s21+$0x5020] =	vst v0  }
0x1d: {  	[tilespmem:s21+$0x5030] =	vst v0  }
0x1e: {  	[tilespmem:s21+$0x5040] =	vst v0  }
0x1f: {  	[tilespmem:s21+$0x5050] =	vst v0  }
0x20: {  	[tilespmem:s21+$0x5060] =	vst v0  }
0x21: {  	[spmem:s5] =	stream.linear.scatter [tilespmem:s14], [sflag:$0x2], $0x4000, $0x38;
	[tilespmem:$0x1D000] =	vst v63  }
0x22: {  	_ =	swait.ge [sflag:s15], $0x4000  }
0x23: {  	[sflag:s15] =	ssyncset.done $0x0  }
0x24: {  	[sflag:s15] =	ssyncadd.s32 $0xFFFFC000  }
0x25: {  	[spmem:s6] =	stream.linear.scatter [tilespmem:s14], [sflag:$0x2], $0x4000, $0x38;
	[tilespmem:$0x1D000] =	vst v63  }
0x26: {  	_ =	swait.ge [sflag:s15], $0x4000  }
0x27: {  	[sflag:s15] =	ssyncset.done $0x0  }
0x28: {  	[sflag:s15] =	ssyncadd.s32 $0xFFFFC000  }
0x29: {  	[spmem:s7] =	stream.linear.scatter [tilespmem:s14], [sflag:$0x2], $0x4000, $0x38;
	[tilespmem:$0x1D000] =	vst v63  }
0x2a: {  	_ =	swait.ge [sflag:s15], $0x4000  }
0x2b: {  	[sflag:s15] =	ssyncset.done $0x0  }
0x2c: {  	[sflag:s15] =	ssyncadd.s32 $0xFFFFC000  }
0x2d: {  	[spmem:s8] =	stream.linear.scatter [tilespmem:s14], [sflag:$0x2], $0x4000, $0x38;
	[tilespmem:$0x1D000] =	vst v63  }
0x2e: {  	_ =	swait.ge [sflag:s15], $0x4000  }
0x2f: {  	[sflag:s15] =	ssyncset.done $0x0  }
0x30: {  	[sflag:s15] =	ssyncadd.s32 $0xFFFFC000  }
0x31: {  	[spmem:s9] =	stream.linear.scatter [tilespmem:s14], [sflag:$0x2], $0x4000, $0x38;
	[tilespmem:$0x1D000] =	vst v63  }
0x32: {  	_ =	swait.ge [sflag:s15], $0x4000  }
0x33: {  	[sflag:s15] =	ssyncset.done $0x0  }
0x34: {  	[sflag:s15] =	ssyncadd.s32 $0xFFFFC000  }
0x35: {  	s29 =	simm.s32 $0x0;
	[bflag:$0x0] =	sbarrier.arrive $0xFFFF  }
0x36: {  	[tilespmem:s29], [sflag:$0x2] =	stream.linear.gather [hbm4b:s10+s29], $0x2780, $0x38;
	[tilespmem:$0x1D000] =	vst v63  }
0x37: {  	_ =	swait.ge [sflag:s15], $0x2780  }
0x38: {  	[sflag:s15] =	ssyncset.done $0x0  }
0x39: {  	[sflag:s15] =	ssyncadd.s32 $0xFFFFD880  }
0x3a: {  	[tilespmem:s16], [sflag:$0x2] =	stream.linear.gather [hbm4b:s11+s29], $0x2780, $0x38;
	[tilespmem:$0x1D000] =	vst v63  }
0x3b: {  	_ =	swait.ge [sflag:s15], $0x2780  }
0x3c: {  	[sflag:s15] =	ssyncset.done $0x0  }
0x3d: {  	s30 =	simm.s32 $0x0;
	[sflag:s15] =	ssyncadd.s32 $0xFFFFD880  }
0x3e: {  	[tilespmem:s14], [sflag:$0x1] =	stream.indirect.gather [hbm4b:s4+s17], $0x80, s30, s17, $0xb8;
	[tilespmem:$0x1D000] =	vst v63  }
0x3f: {  	_ =	swait.ge [sflag:s18], $0x4000  }
0x40: {  	[sflag:s18] =	ssyncset.done $0x0  }
0x41: {  	s31 =	simm.s32 $0x2800;
	[sflag:s18] =	ssyncadd.s32 $0xFFFFC000  }
0x42: {  	[spmem:s2] =	stream.indirect.scatter.add.f32 [tilespmem:s14], [sflag:$0x2], $0x80, s31, s17, $0xb8;
	[tilespmem:$0x1D000] =	vst v63  }
0x43: {  	_ =	swait.ge [sflag:s15], $0x4000  }
0x44: {  	s21 =	simm.s32 $0x200;
	s22 =	simm.s32 $0x400;
	[sflag:s15] =	ssyncset.done $0x0  }
.LBB2_4:
0x45: {  	s23 =	sshra.s32 s21, $0x2  }
0x46: {  	[sflag:s15] =	ssyncadd.s32 $0xFFFFC000;
	s21 =	smov.u32 s22;
	s24 =	sadd.s32 $0x200, s22  }
0x47: {  	[tilespmem:s14], [sflag:$0x1] =	stream.indirect.gather [hbm4b:s4+s17], $0x80, s23, s17, $0xb8;
	[tilespmem:$0x1D000] =	vst v63  }
0x48: {  	p0 =	sne.s32 s22, $0x9C00;
	_ =	swait.ge [sflag:s18], $0x4000  }
.Ltmp1:
0x49: {  	[sflag:s18] =	ssyncset.done $0x0;
	(pc) =	sbr.rel @p0 .LBB2_4-.Ltmp1, $4  }
0x4a: {  	s22 =	sadd.s32 $0x2800, s23;
	[sflag:s18] =	ssyncadd.s32 $0xFFFFC000  }
0x4b: {  	[spmem:s2] =	stream.indirect.scatter.add.f32 [tilespmem:s14], [sflag:$0x2], $0x80, s22, s17, $0xb8;
	[tilespmem:$0x1D000] =	vst v63  }
0x4c: {  	_ =	swait.ge [sflag:s15], $0x4000  }
0x4d: {  	s22 =	smov.u32 s24;
	[sflag:s15] =	ssyncset.done $0x0  }
0x4e: {  	s21 =	sshra.s32 s21, $0x2;
	[sflag:s15] =	ssyncadd.s32 $0xFFFFC000  }
0x4f: {  	[tilespmem:s14], [sflag:$0x1] =	stream.indirect.gather [hbm4b:s4+s17], $0x80, s21, s17, $0xb8;
	[tilespmem:$0x1D000] =	vst v63  }
0x50: {  	_ =	swait.ge [sflag:s18], $0x4000  }
0x51: {  	[sflag:s18] =	ssyncset.done $0x0  }
0x52: {  	s21 =	sadd.s32 $0x2800, s21;
	[sflag:s18] =	ssyncadd.s32 $0xFFFFC000  }
0x53: {  	[spmem:s2] =	stream.indirect.scatter.add.f32 [tilespmem:s14], [sflag:$0x2], $0x80, s21, s17, $0xb8;
	[tilespmem:$0x1D000] =	vst v63  }
0x54: {  	_ =	swait.ge [sflag:s15], $0x4000  }
0x55: {  	s3 =	sadd.s32 $0x1, s3;
	[sflag:s15] =	ssyncset.done $0x0  }
0x56: {  	p0 =	sne.s32 s3, s13;
	[sflag:s15] =	ssyncadd.s32 $0xFFFFC000  }
.Ltmp2:
0x57: {  	[bflag:$0x0] =	sbarrier.arrive $0xFFFF;
	(pc) =	sbr.rel @p0 .LBB2_1-.Ltmp2, $4  }
0x58: {  	[hbm:s12], [sflag:s19] =	dma.local [spmem:s20], $0x2800  }
0x59: {  	_ =	swait.ge [sflag:s15], $0x2800  }
0x5a: {  	[sflag:s15] =	ssyncset.done $0x0  }
0x5b: {  	[sflag:s15] =	ssyncadd.s32 $0xFFFFD800  }
0x5c: {  	_ =	sfence.sel $0x180000  }
0x5d: {  	[bflag:$0x0] =	sbarrier.arrive $0xFFFF  }
0x5e: {  	p0 =	sne.s32 s0, $0x0;
	_ =	strace $0x9000004D  }
0x5f: {  	s0 =	sadd.s32 @!p0 $0x100000, s1;
	[bflag:$0x2] =	sbarrier.arrive $0xFFFF  }
0x60: {  	[sflag:s0] =	ssyncadd.tile.s32 @!p0 $0x1;
	_ =	shalt  }
.Lfunc_end2:
_tile_overlayer_lowered:
.L_overlay_start_2:
0x61: {  	(tag) =	ssettag $0x2  }
0x62: {  	s0 =	rddreg [dreg:$0x0];
	s2 =	stileid.u32  }
0x63: {  	s1 =	rddreg [dreg:$0x1];
	p0 =	sne.s32 s2, $0x0  }
0x64: {  	s3 =	rddreg [dreg:$0x2];
	[bflag:$0x3] =	sbarrier.arrive $0xFFFF;
	s2 =	simm.s32 @!p0 $0x1C02  }
0x65: {  	[timem:s3], [sflag:s2] =	dma.local @!p0 [hbm:s0], s1  }
0x66: {  	s0 =	simm.s32 @!p0 $0x2  }
0x67: {  	_ =	swait.ge @!p0 [sflag:s0], s1  }
0x68: {  	s1 =	ssub.s32 @!p0 $0x0, s1;
	[sflag:s0] =	ssyncset.done @!p0 $0x0  }
0x69: {  	[sflag:s0] =	ssyncadd.s32 @!p0 s1  }
0x6a: {  	[bflag:$0x3] =	sbarrier.arrive $0xFFFF  }
0x6b: {  	_ =	shalt  }

// kernel: kernel.8.cloned.1.call-start
scs
__scs_entry_jumppad:
0x0: {  	(pc) =	sbr.rel $0x88, $3  }
0x1: {  	(tag) =	ssettag $0x0;
	lr =	simm.s32 $0x1  }
0x2: {  	[smem:$0x3F9B] =	sst lr;
	_ =	strace $0xD0000000  }
0x3: {  	_ = 	snop  }
0x4: {  	_ = 	snop  }
0x5: {  	_ = 	snop  }
0x6: {  	_ = 	snop  }
0x7: {  	_ = 	snop  }
__scs_overlays_trampoline_lowered:
0x8: {  	[smem:$0x3FAA] =	sst s0  }
0x9: {  	[smem:$0x3FAB] =	sst s1  }
0xa: {  	[smem:$0x3FAC] =	sst s2  }
0xb: {  	[smem:$0x3FAD] =	sst s3  }
0xc: {  	[smem:$0x3FAE] =	sst s4  }
0xd: {  	[smem:$0x3FAF] =	sst s5  }
0xe: {  	[smem:$0x3FB0] =	sst s6  }
0xf: {  	[smem:$0x3FB1] =	sst s7  }
0x10: {  	[smem:$0x3FB2] =	sst s8  }
0x11: {  	[smem:$0x3FB3] =	sst s9;
	s0 =	simm.s32 @!p0 $0x0  }
0x12: {  	s1 =	sld [smem:$0x3F99];
	s0 =	simm.s32 @p0 $0x1  }
0x13: {  	[smem:$0x3FB4] =	sst s0;
	s0 =	simm.s32 @!p1 $0x0  }
0x14: {  	s2 =	sld [smem:$0x3F98];
	s0 =	simm.s32 @p1 $0x1  }
0x15: {  	[smem:$0x3FB5] =	sst s0;
	s0 =	simm.s32 @!p2 $0x0  }
0x16: {  	s3 =	sld [smem:$0x3FDB];
	s0 =	simm.s32 @p2 $0x1  }
0x17: {  	s4 =	simm.s32 $0x1BF5;
	[smem:$0x3FB7] =	sst s0  }
0x18: {  	s0 =	sld [smem:$0x3F9A];
	_ =	swait.ge [sflag:s4], $0x0  }
0x19: {  	s7 =	sld [smem:$0x3F9B]  }
0x1a: {  	s8 =	sadd.s32 $0xFFFFE003, lr  }
0x1b: {  	s9 =	sadd.s32 $0xFFFFFEF7, lr;
	s5 =	simm.s32 $0xFFFFFFFF;
	p2 =	slt.u32 s8, $0xFFFFF086  }
0x1c: {  	p1 =	slt.u32 s9, $0xF7A;
	s5 =	simm.s32 @!p2 $0x0  }
0x1d: {  	s5 =	simm.s32 @p1 $0x1;
	p0 =	seq.s32 s7, s2  }
0x1e: {  	s7 =	smul.u32 @!p0 $0xF7A, s2;
	p2 =	seq.s32 @!p0 s5, $0x0  }
0x1f: {  	s9 =	smul.u32 $0xF7A, s1;
	s8 =	simm.s32 @!p0 $0x1BF5;
	p2 =	por !p2, p0  }
0x20: {  	[sflag:s8] =	ssyncset.s32 @!p0 $0xFFFFF086;
	s6 =	sadd.s32 @!p0 s3, s7;
	s7 =	simm.s32 @!p0 $0x108  }
0x21: {  	s3 =	sadd.s32 s3, s9;
	s6 =	sadd.s32 @!p0 $0x88, s6;
	s7 =	simm.s32 @p2 $0x1082  }
0x22: {  	[simem:s7], [sflag:s8] =	dma.local @!p0 [hbm:s6], $0xF7A  }
0x23: {  	s9 =	sor.u32 $0xD0000000, s2;
	s6 =	simm.s32 $0x108;
	_ =	swait.ge @!p0 [sflag:s8], $0x0  }
0x24: {  	s3 =	sadd.s32 $0x88, s3;
	s6 =	simm.s32 @!p1 $0x1082;
	[sflag:s4] =	ssyncset.s32 $0xFFFFF086  }
0x25: {  	[simem:s6], [sflag:s4] =	dma.local [hbm:s3], $0xF7A  }
0x26: {  	[smem:$0x3F9B] =	sst s1;
	(tag) =	ssettag s2;
	_ =	strace s9  }
0x27: {  	s1 =	sld [smem:$0x3FAB]  }
0x28: {  	s2 =	sld [smem:$0x3FAC]  }
0x29: {  	s4 =	sld [smem:$0x3FAE]  }
0x2a: {  	p0 =	seq.s32 s5, $0x0;
	s5 =	sld [smem:$0x3FAF]  }
0x2b: {  	s6 =	sld [smem:$0x3FB0]  }
0x2c: {  	s7 =	sld [smem:$0x3FB1]  }
0x2d: {  	s3 =	simm.s32 $0x108;
	s8 =	sld [smem:$0x3FB2]  }
0x2e: {  	s3 =	simm.s32 @!p0 $0x1082;
	s9 =	sld [smem:$0x3FB3]  }
0x2f: {  	lr =	sadd.s32 s0, s3;
	s0 =	sld [smem:$0x3FAA]  }
0x30: {  	s3 =	sld [smem:$0x3FAD]  }
0x31: {  	[smem:$0x3FB6] =	sst s10  }
0x32: {  	s10 =	sld [smem:$0x3FB4];
	_ =	sdelay $0x3  }
0x33: {  	p0 =	seq.s32 s10, $0x1;
	s10 =	sld [smem:$0x3FB6];
	_ =	sdelay $0x3  }
0x34: {  	[smem:$0x3FB6] =	sst s10  }
0x35: {  	s10 =	sld [smem:$0x3FB5];
	_ =	sdelay $0x3  }
0x36: {  	p1 =	seq.s32 s10, $0x1;
	s10 =	sld [smem:$0x3FB6];
	_ =	sdelay $0x3  }
0x37: {  	[smem:$0x3FB6] =	sst s10  }
0x38: {  	s10 =	sld [smem:$0x3FB7]  }
0x39: {  	_ = 	snop;
	(pc) =	sbr.ind lr, $3  }
0x3a: {  	_ = 	snop  }
0x3b: {  	_ = 	snop  }
0x3c: {  	p2 =	seq.s32 s10, $0x1;
	s10 =	sld [smem:$0x3FB6]  }
0x3d: {  	_ =	shalt  }
0x3e: {  	_ =	shalt  }
0x3f: {  	_ =	shalt  }
0x40: {  	_ =	shalt  }
0x41: {  	_ =	shalt  }
0x42: {  	_ =	shalt  }
0x43: {  	_ =	shalt  }
0x44: {  	_ =	shalt  }
0x45: {  	_ =	shalt  }
0x46: {  	_ =	shalt  }
0x47: {  	_ =	shalt  }
0x48: {  	_ =	shalt  }
0x49: {  	_ =	shalt  }
0x4a: {  	_ =	shalt  }
0x4b: {  	_ =	shalt  }
0x4c: {  	_ =	shalt  }
0x4d: {  	_ =	shalt  }
0x4e: {  	_ =	shalt  }
0x4f: {  	_ =	shalt  }
0x50: {  	_ =	shalt  }
0x51: {  	_ =	shalt  }
0x52: {  	_ =	shalt  }
0x53: {  	_ =	shalt  }
0x54: {  	_ =	shalt  }
0x55: {  	_ =	shalt  }
0x56: {  	_ =	shalt  }
0x57: {  	_ =	shalt  }
0x58: {  	_ =	shalt  }
0x59: {  	_ =	shalt  }
0x5a: {  	_ =	shalt  }
0x5b: {  	_ =	shalt  }
0x5c: {  	_ =	shalt  }
0x5d: {  	_ =	shalt  }
0x5e: {  	_ =	shalt  }
0x5f: {  	_ =	shalt  }
0x60: {  	_ =	shalt  }
0x61: {  	_ =	shalt  }
0x62: {  	_ =	shalt  }
0x63: {  	_ =	shalt  }
0x64: {  	_ =	shalt  }
0x65: {  	_ =	shalt  }
0x66: {  	_ =	shalt  }
0x67: {  	_ =	shalt  }
0x68: {  	_ =	shalt  }
0x69: {  	_ =	shalt  }
0x6a: {  	_ =	shalt  }
0x6b: {  	_ =	shalt  }
0x6c: {  	_ =	shalt  }
0x6d: {  	_ =	shalt  }
0x6e: {  	_ =	shalt  }
0x6f: {  	_ =	shalt  }
0x70: {  	_ =	shalt  }
0x71: {  	_ =	shalt  }
0x72: {  	_ =	shalt  }
0x73: {  	_ =	shalt  }
0x74: {  	_ =	shalt  }
0x75: {  	_ =	shalt  }
0x76: {  	_ =	shalt  }
0x77: {  	_ =	shalt  }
0x78: {  	_ =	shalt  }
0x79: {  	_ =	shalt  }
0x7a: {  	_ =	shalt  }
0x7b: {  	_ =	shalt  }
0x7c: {  	_ =	shalt  }
0x7d: {  	_ =	shalt  }
0x7e: {  	_ =	shalt  }
0x7f: {  	_ =	shalt  }
0x80: {  	_ =	shalt  }
0x81: {  	_ =	shalt  }
0x82: {  	_ =	shalt  }
0x83: {  	_ =	shalt  }
0x84: {  	_ =	shalt  }
0x85: {  	_ =	shalt  }
0x86: {  	_ =	shalt  }
0x87: {  	_ =	shalt  }
.Lfunc_end0:
.L_simem_size_0:
called_computation_lowered:
.L_overlay_start_0:
0x88: {  	s2 =	sld [smem:$0x3FD9]  }
0x89: {  	s3 =	sld [smem:$0x3FFE];
	_ =	sdelay $0x1  }
0x8a: {  	s1 =	srdreg.scid  }
0x8b: {  	s0 =	sand.u32 $0x1, s1  }
0x8c: {  	s17 =	sshll.u32 s0, $0xA;
	s2 =	sadd.s32 s3, s2  }
0x8d: {  	s2 =	sadd.s32 s2, s17  }
0x8e: {  	[smem:$0x3FC2] =	sst s2  }
0x8f: {  	_ = 	snop  }
0x90: {  	s2 =	sld [smem:$0x3FD0];
	(tm) =	ssettm $0x1  }
0x91: {  	s18 =	sld [smem:$0x3FFB];
	_ =	sdelay $0x3  }
0x92: {  	_ =	strace s18  }
0x93: {  	s3 =	sld [smem:$0x3FFC];
	_ =	sdelay $0x3  }
0x94: {  	_ =	strace s3  }
0x95: {  	s3 =	sld [smem:$0x3FFD];
	_ =	sdelay $0x3  }
0x96: {  	_ =	strace s3  }
0x97: {  	_ =	strace $0x8FFFFFFF  }
0x98: {  	s19 =	sld [smem:$0x3FDB];
	_ =	sdelay $0x1  }
0x99: {  	s4 =	simm.s32 $_scs_section_size  }
0x9a: {  	s5 =	simm.s32 $_size__tile_overlayer_lowered;
	s6 =	simm.s32 $_tile_overlayer_lowered  }
0x9b: {  	s22 =	simm.s32 $0x1BFF;
	s21 =	sshll.u32 s6, $0x1;
	s3 =	sadd.s32 s4, s19  }
0x9c: {  	s7 =	simm.s32 $0x0;
	s20 =	sshll.u32 s5, $0x1;
	s5 =	sadd.s32 s21, s3  }
0x9d: {  	[timem:s7], [sflag:s22] =	dma.local [hbm:s5], s20  }
0x9e: {  	_ =	swait.ge [sflag:s22], s20  }
0x9f: {  	s4 =	ssub.s32 $0x0, s20;
	[sflag:s22] =	ssyncset.done $0x0  }
0xa0: {  	[sflag:s22] =	ssyncadd.s32 s4;
	_ =	sdelay $0x1  }
0xa1: {  	s23 =	simm.s32 $0x1B8B  }
0xa2: {  	_ =	swait.ge [sflag:s23], $0x1  }
0xa3: {  	[sflag:s23] =	ssyncset.done $0x0  }
0xa4: {  	s25 =	simm.s32 $0x1B8E;
	s24 =	sld [smem:$0x3FFE];
	[sflag:s23] =	ssyncadd.s32 $0xFFFFFFFF  }
0xa5: {  	s26 =	simm.s32 $execute0_lowered;
	[smem:$0x3FD2] =	sst s25  }
0xa6: {  	s5 =	sshll.u32 s26, $0x1;
	_ =	strace $0x80000046;
	[dreg:$0x1] =	wrdreg $0xFFFFFFFF  }
0xa7: {  	s28 =	simm.s32 $_size_execute0_lowered;
	s3 =	sadd.s32 s3, s5;
	[dreg:$0x0] =	wrdreg $0x0  }
0xa8: {  	s5 =	sshll.u32 s28, $0x1;
	[dreg:$0x2] =	wrdreg s3  }
0xa9: {  	[dreg:$0x3] =	wrdreg s5  }
0xaa: {  	[dreg:$0x4] =	wrdreg $0xC0  }
0xab: {  	_ =	task [dreg:s7], $0x5FFFF  }
0xac: {  	[dreg:$0x1] =	wrdreg $0xFFFFFFFF  }
0xad: {  	[dreg:$0x0] =	wrdreg $0x60  }
0xae: {  	[dreg:$0x2] =	wrdreg s2  }
0xaf: {  	[dreg:$0x3] =	wrdreg s24  }
0xb0: {  	[dreg:$0x4] =	wrdreg $0x2B000  }
0xb1: {  	[dreg:$0x5] =	wrdreg $0x9  }
0xb2: {  	_ =	task.clear_ibuf [dreg:s7], $0x6FFFF;
	_ =	strace $0x90000046  }
0xb3: {  	s29 =	simm.s32 $0x9;
	_ =	strace $0x80000048  }
0xb4: {  	_ =	swait.ge [sflag:s29], $0x1  }
0xb5: {  	[sflag:s29] =	ssyncadd.s32 $0xFFFFFFFF  }
0xb6: {  	_ =	strace $0x90000048  }
0xb7: {  	_ =	sfence  }
0xb8: {  	s30 =	sld [smem:$0x0];
	_ =	sdelay $0x2  }
0xb9: {  	s31 =	sshll.u32 s1, $0xD;
	s1 =	sshrl.u32 s1, $0x2  }
0xba: {  	s3 =	sand.u32 $0x4000, s31;
	s1 =	sadd.s32 s1, s30  }
0xbb: {  	s0 =	sor.u32 s3, s0;
	s1 =	sshll.u32 s1, $0x11  }
0xbc: {  	s0 =	sor.u32 s1, s0  }
0xbd: {  	s0 =	sadd.s32 $0x8F2B, s0  }
0xbe: {  	[sflag:s0] =	ssyncadd.remote.s32 $0x1  }
0xbf: {  	_ =	sfence.sel $0xFFFF  }
0xc0: {  	[dreg:$0x0] =	wrdreg $0xFFFFFFFF;
	(pc) =	sbr.abs _section_cstart, $3  }
0xc1: {  	[dreg:$0x1] =	wrdreg $0xFFFFFFFF  }
0xc2: {  	_ =	task.clear_ibuf [dreg:s7], $0x2FFFF;
	_ =	strace $0x9FFFFFFF  }
0xc3: {  	(tm) =	ssettm $0x7FFFFFFF  }
tec
execute0_lowered:
.L_overlay_start_1:
0x0: {  	(tag) =	ssettag $0x1  }
0x1: {  	s5 =	rddreg [dreg:$0x0]  }
0x2: {  	s4 =	rddreg [dreg:$0x1];
	s1 =	srdreg.scid  }
0x3: {  	s0 =	stileid.u32;
	s2 =	rddreg [dreg:$0x2];
	s3 =	simm.s32 $0x0  }
0x4: {  	s11 =	simm.s32 $0x2800;
	s6 =	sand.u32 $0x1, s1;
	s1 =	rddreg [dreg:$0x3]  }
0x5: {  	s14 =	simm.s32 $0x0;
	s7 =	smul.u32 $0x280, s0;
	[smem:$0x7FF] =	sst s3  }
0x6: {  	s12 =	sshll.u32 s0, $0x6;
	s8 =	smul.u32 $0x2800, s6;
	s9 =	sshll.u32 s6, $0x4  }
0x7: {  	s6 =	ssub.s32 $0x2, s6;
	_ =	strace $0x80000047;
	s9 =	sor.u32 s0, s9  }
0x8: {  	s10 =	sshrl.u32 s6, $0x1;
	s8 =	sadd.s32 s7, s8;
	s9 =	smul.u32 $0x500, s9  }
0x9: {  	s12 =	sor.u32 $0x1C01, s12;
	s10 =	ssub.s32 s6, s10;
	s8 =	sshrl.u32 s8, $0x3  }
0xa: {  	s8 =	sadd.s32 s8, s4;
	s4 =	sadd.s32 s7, s2;
	s5 =	sadd.s32 s5, s9  }
0xb: {  	s7 =	smax.u32 s10, $0x1;
	s9 =	simm.s32 $0x1;
	s10 =	simm.s32 $0x80  }
0xc: {  	v0 =	vimm.f32 $0.0e+00;
	v1 =	vimm.f32 $1.000000000e+00;
	s6 =	sadd.s32 $0x2400, s8;
	s8 =	simm.s32 $0x2880;
	s13 =	sshrl.u32 s4, $0x3  }
.LBB2_1:
0xd: {  	[tilespmem:$0x2880] =	vst v0  }
0xe: {  	[tilespmem:$0x2890] =	vst v0  }
0xf: {  	[tilespmem:$0x28A0] =	vst v0  }
0x10: {  	[tilespmem:$0x28B0] =	vst v0  }
0x11: {  	[tilespmem:$0x28C0] =	vst v0  }
0x12: {  	[tilespmem:$0x28D0] =	vst v0  }
0x13: {  	[tilespmem:$0x28E0] =	vst v0  }
0x14: {  	[tilespmem:$0x28F0] =	vst v0  }
0x15: {  	[tilespmem:$0x2900] =	vst v0  }
0x16: {  	[tilespmem:$0x2910] =	vst v0  }
0x17: {  	[tilespmem:$0x2920] =	vst v0  }
0x18: {  	[tilespmem:$0x2930] =	vst v0  }
0x19: {  	[tilespmem:$0x2940] =	vst v0  }
0x1a: {  	[tilespmem:$0x2950] =	vst v0  }
0x1b: {  	[tilespmem:$0x2960] =	vst v0  }
0x1c: {  	[tilespmem:$0x2970] =	vst v0  }
0x1d: {  	[tilespmem:$0x2980] =	vst v0  }
0x1e: {  	[tilespmem:$0x2990] =	vst v0  }
0x1f: {  	[tilespmem:$0x29A0] =	vst v0  }
0x20: {  	[tilespmem:$0x29B0] =	vst v0  }
0x21: {  	[tilespmem:$0x29C0] =	vst v0  }
0x22: {  	[tilespmem:$0x29D0] =	vst v0  }
0x23: {  	[tilespmem:$0x29E0] =	vst v0  }
0x24: {  	[tilespmem:$0x29F0] =	vst v0  }
0x25: {  	[tilespmem:$0x2A00] =	vst v0  }
0x26: {  	[tilespmem:$0x2A10] =	vst v0  }
0x27: {  	[tilespmem:$0x2A20] =	vst v0  }
0x28: {  	[tilespmem:$0x2A30] =	vst v0  }
0x29: {  	[tilespmem:$0x2A40] =	vst v0  }
0x2a: {  	[tilespmem:$0x2A50] =	vst v0  }
0x2b: {  	[tilespmem:$0x2A60] =	vst v0  }
0x2c: {  	[tilespmem:$0x2A70] =	vst v0  }
0x2d: {  	[tilespmem:$0x2A80] =	vst v0  }
0x2e: {  	[tilespmem:$0x2A90] =	vst v0  }
0x2f: {  	[tilespmem:$0x2AA0] =	vst v0  }
0x30: {  	[tilespmem:$0x2AB0] =	vst v0  }
0x31: {  	[tilespmem:$0x2AC0] =	vst v0  }
0x32: {  	[tilespmem:$0x2AD0] =	vst v0  }
0x33: {  	[tilespmem:$0x2AE0] =	vst v0  }
0x34: {  	[tilespmem:$0x2AF0] =	vst v0  }
0x35: {  	[tilespmem:$0x2800] =	vst v1  }
0x36: {  	[tilespmem:$0x2810] =	vst v1  }
0x37: {  	[tilespmem:$0x2820] =	vst v1  }
0x38: {  	[tilespmem:$0x2830] =	vst v1  }
0x39: {  	[tilespmem:$0x2840] =	vst v1  }
0x3a: {  	[tilespmem:$0x2850] =	vst v1  }
0x3b: {  	[tilespmem:$0x2860] =	vst v1  }
0x3c: {  	[tilespmem:$0x2870] =	vst v1  }
0x3d: {  	[spmem:s4] =	stream.linear.scatter [tilespmem:s8], [sflag:$0x1], $0x280, $0x38;
	[tilespmem:$0x2D80] =	vst v63  }
0x3e: {  	_ =	swait.ge [sflag:s9], $0x280  }
0x3f: {  	[sflag:s9] =	ssyncset.done $0x0  }
0x40: {  	[sflag:s9] =	ssyncadd.s32 $0xFFFFFD80  }
0x41: {  	[bflag:$0x0] =	sbarrier.arrive $0xFFFF  }
0x42: {  	[tilespmem:s3], [sflag:$0x1] =	stream.linear.gather [hbm4b:s5+s3], $0x2780, $0x38;
	[tilespmem:$0x2D80] =	vst v63  }
0x43: {  	_ =	swait.ge [sflag:s9], $0x2780  }
0x44: {  	[sflag:s9] =	ssyncset.done $0x0  }
0x45: {  	s15 =	simm.s32 $0x0;
	[sflag:s9] =	ssyncadd.s32 $0xFFFFD880  }
0x46: {  	[spmem:s2] =	stream.indirect.scatter.add.f32 [tilespmem:s11], [sflag:$0x1], $0x1, s15, s10, $0xb8;
	[tilespmem:$0x2D80] =	vst v63  }
0x47: {  	_ =	swait.ge [sflag:s9], $0x80  }
0x48: {  	s15 =	simm.s32 $0x200;
	[sflag:s9] =	ssyncset.done $0x0  }
.LBB2_2:
0x49: {  	s16 =	sshra.s32 s15, $0x2;
	[sflag:s9] =	ssyncadd.s32 $0xFFFFFF80;
	p0 =	sne.s32 s15, $0x9C00  }
0x4a: {  	[spmem:s2] =	stream.indirect.scatter.add.f32 [tilespmem:s11], [sflag:$0x1], $0x1, s16, s10, $0xb8;
	[tilespmem:$0x2D80] =	vst v63  }
.Ltmp0:
0x4b: {  	_ = 	snop;
	(pc) =	sbr.rel @p0 .LBB2_2-.Ltmp0, $4  }
0x4c: {  	_ = 	snop  }
0x4d: {  	s15 =	sadd.s32 $0x200, s15  }
0x4e: {  	_ =	swait.ge [sflag:s9], $0x80  }
0x4f: {  	[sflag:s9] =	ssyncset.done $0x0  }
0x50: {  	s14 =	sadd.s32 $0x1, s14  }
0x51: {  	[sflag:s9] =	ssyncadd.s32 $0xFFFFFF80;
	p0 =	sne.s32 s14, s7  }
.Ltmp1:
0x52: {  	[bflag:$0x0] =	sbarrier.arrive $0xFFFF;
	(pc) =	sbr.rel @p0 .LBB2_1-.Ltmp1, $4  }
0x53: {  	[hbm:s6], [sflag:s12] =	dma.local [spmem:s13], $0x50  }
0x54: {  	_ =	swait.ge [sflag:s9], $0x50  }
0x55: {  	[sflag:s9] =	ssyncset.done $0x0  }
0x56: {  	[sflag:s9] =	ssyncadd.s32 $0xFFFFFFB0  }
0x57: {  	_ =	sfence.sel $0x180000  }
0x58: {  	[bflag:$0x0] =	sbarrier.arrive $0xFFFF  }
0x59: {  	p0 =	sne.s32 s0, $0x0;
	_ =	strace $0x90000047  }
0x5a: {  	s0 =	sadd.s32 @!p0 $0x100000, s1;
	[bflag:$0x2] =	sbarrier.arrive $0xFFFF  }
0x5b: {  	[sflag:s0] =	ssyncadd.tile.s32 @!p0 $0x1;
	_ =	shalt  }
.Lfunc_end2:
_tile_overlayer_lowered:
.L_overlay_start_2:
0x5c: {  	(tag) =	ssettag $0x2  }
0x5d: {  	s0 =	rddreg [dreg:$0x0];
	s2 =	stileid.u32  }
0x5e: {  	s1 =	rddreg [dreg:$0x1];
	p0 =	sne.s32 s2, $0x0  }
0x5f: {  	s3 =	rddreg [dreg:$0x2];
	[bflag:$0x3] =	sbarrier.arrive $0xFFFF;
	s2 =	simm.s32 @!p0 $0x1C01  }
0x60: {  	[timem:s3], [sflag:s2] =	dma.local @!p0 [hbm:s0], s1  }
0x61: {  	s0 =	simm.s32 @!p0 $0x1  }
0x62: {  	_ =	swait.ge @!p0 [sflag:s0], s1  }
0x63: {  	s1 =	ssub.s32 @!p0 $0x0, s1;
	[sflag:s0] =	ssyncset.done @!p0 $0x0  }
0x64: {  	[sflag:s0] =	ssyncadd.s32 @!p0 s1  }
0x65: {  	[bflag:$0x3] =	sbarrier.arrive $0xFFFF  }
0x66: {  	_ =	shalt  }

</sc_bundles>
